<compile_context>
chip_gen: v7x
topology: tpu7x:2x2x1
jax: 0.10.2.dev20260603
libtpu: 0.0.44.dev20260713+nightly
codegen_flags: <defaults>
</compile_context>

<pallas_src>
import functools

import jax
import jax.numpy as jnp
from jax import lax
from jax.experimental import pallas as pl
from jax.experimental.pallas import tpu as pltpu
from jax.experimental.pallas import tpu_sc as plsc

N = 10000
E = 320000
NF = 6

NC = 2
NS = 16
NW = NC * NS
E_PER_W = E // NW
CH = 80
E_PER_W_PAD = 10080
NCH = E_PER_W_PAD // CH
N_PAD = 10240
RPT = N_PAD // NS


def _mesh():
    return plsc.VectorSubcoreMesh(core_axis_name="c", subcore_axis_name="s")


def _deg_body(dst_hbm, ones_hbm, zeros_hbm, out_hbm, idx_v, ones_v, acc_sh):
    cid = lax.axis_index("c")
    sid = lax.axis_index("s")
    wid = sid * NC + cid
    r0 = sid * RPT
    pltpu.sync_copy(zeros_hbm.at[pl.ds(r0, RPT)], acc_sh.at[pl.ds(r0, RPT)])
    pltpu.sync_copy(ones_hbm, ones_v)
    pltpu.sync_copy(dst_hbm.at[wid], idx_v)
    plsc.subcore_barrier()

    def body(j, carry):
        pltpu.sync_copy(ones_v, acc_sh.at[idx_v.at[j]], add=True)
        return carry

    lax.fori_loop(0, NCH, body, 0)
    plsc.subcore_barrier()
    pltpu.sync_copy(acc_sh.at[pl.ds(r0, RPT)], out_hbm.at[cid, pl.ds(r0, RPT)])


@functools.lru_cache(maxsize=None)
def _deg_call_fn():
    return functools.partial(
        pl.kernel,
        out_type=jax.ShapeDtypeStruct((NC, N_PAD, 16), jnp.float32),
        mesh=_mesh(),
        scratch_types=[
            pltpu.VMEM((NCH, CH), jnp.int32),
            pltpu.VMEM((CH, 16), jnp.float32),
            pltpu.VMEM_SHARED((N_PAD, 16), jnp.float32),
        ],
        compiler_params=pltpu.CompilerParams(use_tc_tiling_on_sc=False),
    )(_deg_body)


def _agg_body(src_hbm, dst_hbm, g_hbm, zeros_hbm, out_hbm,
              sidx_v, didx_v, rows_v, acc_sh, sem0, sem1):
    cid = lax.axis_index("c")
    sid = lax.axis_index("s")
    wid = sid * NC + cid
    r0 = sid * RPT
    pltpu.sync_copy(zeros_hbm.at[pl.ds(r0, RPT)], acc_sh.at[pl.ds(r0, RPT)])
    pltpu.sync_copy(src_hbm.at[wid], sidx_v)
    pltpu.sync_copy(dst_hbm.at[wid], didx_v)
    plsc.subcore_barrier()

    def start_g(c, b, sem):
        pltpu.async_copy(g_hbm.at[sidx_v.at[c]], rows_v.at[b], sem)

    def wait_g(b, sem):
        pltpu.make_async_copy(g_hbm.at[pl.ds(0, CH)], rows_v.at[b], sem).wait()

    def scat(c, b):
        pltpu.sync_copy(rows_v.at[b], acc_sh.at[didx_v.at[c]], add=True)

    start_g(0, 0, sem0)
    start_g(1, 1, sem1)

    def body(i, carry):
        c0 = 2 * i
        wait_g(0, sem0)
        scat(c0, 0)
        start_g(c0 + 2, 0, sem0)
        wait_g(1, sem1)
        scat(c0 + 1, 1)
        start_g(c0 + 3, 1, sem1)
        return carry

    lax.fori_loop(0, (NCH - 2) // 2, body, 0)
    wait_g(0, sem0)
    scat(NCH - 2, 0)
    wait_g(1, sem1)
    scat(NCH - 1, 1)
    plsc.subcore_barrier()
    pltpu.sync_copy(acc_sh.at[pl.ds(r0, RPT)], out_hbm.at[cid, pl.ds(r0, RPT)])


@functools.lru_cache(maxsize=None)
def _agg_call_fn():
    return functools.partial(
        pl.kernel,
        out_type=jax.ShapeDtypeStruct((NC, N_PAD, 32), jnp.float32),
        mesh=_mesh(),
        scratch_types=[
            pltpu.VMEM((NCH, CH), jnp.int32),
            pltpu.VMEM((NCH, CH), jnp.int32),
            pltpu.VMEM((2, CH, 32), jnp.float32),
            pltpu.VMEM_SHARED((N_PAD, 32), jnp.float32),
            pltpu.SemaphoreType.DMA,
            pltpu.SemaphoreType.DMA,
        ],
        compiler_params=pltpu.CompilerParams(use_tc_tiling_on_sc=False),
    )(_agg_body)


BR = 200
K_FULL = 20000


def _tc1_body(x_ref, s_ref, r_ref, a1_ref, a2_ref, be1_ref, w2_ref, be2_ref,
              wg1_ref, out_ref):
    sa = jnp.dot(s_ref[...].astype(jnp.bfloat16),
                 r_ref[...].astype(jnp.bfloat16),
                 preferred_element_type=jnp.float32)
    h = jnp.tanh(
        jnp.dot(x_ref[...], a1_ref[...], preferred_element_type=jnp.float32)
        + jnp.dot(sa, a2_ref[...], preferred_element_type=jnp.float32)
        + be1_ref[...])
    h = jnp.tanh(
        jnp.dot(h, w2_ref[...], preferred_element_type=jnp.float32)
        + be2_ref[...])
    out_ref[...] = jnp.dot(h, wg1_ref[...], preferred_element_type=jnp.float32)


def _tc1(x, S, R, A1, A2, be1, W2, be2, Wg1):
    return pl.pallas_call(
        _tc1_body,
        grid=(N // BR,),
        in_specs=[
            pl.BlockSpec((BR, NF), lambda i: (i, 0)),
            pl.BlockSpec((BR, K_FULL), lambda i: (i, 0)),
            pl.BlockSpec((K_FULL, 3), lambda i: (0, 0)),
            pl.BlockSpec((NF, 64), lambda i: (0, 0)),
            pl.BlockSpec((3, 64), lambda i: (0, 0)),
            pl.BlockSpec((1, 64), lambda i: (0, 0)),
            pl.BlockSpec((64, 32), lambda i: (0, 0)),
            pl.BlockSpec((1, 32), lambda i: (0, 0)),
            pl.BlockSpec((32, 32), lambda i: (0, 0)),
        ],
        out_specs=pl.BlockSpec((BR, 32), lambda i: (i, 0)),
        out_shape=jax.ShapeDtypeStruct((N, 32), jnp.float32),
        compiler_params=pltpu.CompilerParams(
            dimension_semantics=("arbitrary",)),
    )(x, S, R, A1, A2, be1, W2, be2, Wg1)


def _prep_body(d0_ref, d1_ref, hw1_ref, g1_ref, dinv_ref):
    deg = d0_ref[:, 0:1] + d1_ref[:, 0:1] + 1.0
    dinv = lax.rsqrt(deg)
    dinv_ref[...] = dinv
    g1_ref[...] = hw1_ref[...] * dinv


def _prep(d0, d1, hw1):
    return pl.pallas_call(
        _prep_body,
        out_shape=(jax.ShapeDtypeStruct((N, 32), jnp.float32),
                   jax.ShapeDtypeStruct((N, 1), jnp.float32)),
    )(d0, d1, hw1)


def _mid_body(a0_ref, a1_ref, hw_ref, dinv_ref, b_ref, w_ref, hwn_ref, gn_ref):
    dinv = dinv_ref[...]
    h = jnp.maximum(
        dinv * (a0_ref[...] + a1_ref[...]) + dinv * dinv * hw_ref[...] + b_ref[...],
        0.0)
    hwn = jnp.dot(h, w_ref[...], preferred_element_type=jnp.float32)
    hwn_ref[...] = hwn
    gn_ref[...] = hwn * dinv


def _mid(a0, a1, hw, dinv, b, w):
    return pl.pallas_call(
        _mid_body,
        out_shape=(jax.ShapeDtypeStruct((N, 32), jnp.float32),
                   jax.ShapeDtypeStruct((N, 32), jnp.float32)),
    )(a0, a1, hw, dinv, b, w)


def _fin_body(a0_ref, a1_ref, hw_ref, dinv_ref, b_ref, wp1_ref, bp1_ref,
              wp2_ref, bp2_ref, out_ref):
    dinv = dinv_ref[...]
    h = jnp.maximum(
        dinv * (a0_ref[...] + a1_ref[...]) + dinv * dinv * hw_ref[...] + b_ref[...],
        0.0)
    t = jnp.tanh(jnp.dot(h, wp1_ref[...], preferred_element_type=jnp.float32)
                 + bp1_ref[...])
    out_ref[...] = jnp.tanh(
        jnp.dot(t, wp2_ref[...], preferred_element_type=jnp.float32)
        + bp2_ref[...])


def _fin(a0, a1, hw, dinv, b, Wp1, bp1, Wp2, bp2):
    return pl.pallas_call(
        _fin_body,
        out_shape=jax.ShapeDtypeStruct((N, 1), jnp.float32),
    )(a0, a1, hw, dinv, b, Wp1, bp1, Wp2, bp2)


def kernel(x, edge_index, S, R, We1, be1, We2, be2, Wg1, bg1, Wg2, bg2,
           Wp1, bp1, Wp2, bp2):
    src2 = edge_index[0].reshape(NW, E_PER_W)
    dst2 = edge_index[1].reshape(NW, E_PER_W)
    pad = E_PER_W_PAD - E_PER_W
    pad_dst = jnp.broadcast_to(N + jnp.arange(pad, dtype=jnp.int32),
                               (NW, pad))
    src3 = jnp.pad(src2, ((0, 0), (0, pad))).reshape(NW, NCH, CH)
    dst3 = jnp.concatenate([dst2, pad_dst], axis=1).reshape(NW, NCH, CH)
    zeros16 = jnp.zeros((N_PAD, 16), jnp.float32)
    zeros32 = jnp.zeros((N_PAD, 32), jnp.float32)
    ones16 = jnp.ones((CH, 16), jnp.float32)

    degacc = _deg_call_fn()(dst3, ones16, zeros16)

    A1 = We1[:NF]
    A2 = We1[NF:]
    hw1 = _tc1(x, S, R, A1, A2, be1.reshape(1, 64), We2,
               be2.reshape(1, 32), Wg1)

    g1, dinv = _prep(degacc[0, :N], degacc[1, :N], hw1)

    acc1 = _agg_call_fn()(src3, dst3, g1, zeros32)
    hw2, g2 = _mid(acc1[0, :N], acc1[1, :N], hw1, dinv, bg1.reshape(1, 32), Wg2)

    acc2 = _agg_call_fn()(src3, dst3, g2, zeros32)
    return _fin(acc2[0, :N], acc2[1, :N], hw2, dinv, bg2.reshape(1, 32),
                Wp1, bp1.reshape(1, 32), Wp2, bp2.reshape(1, 1))

# --- scband reference (transcript-rebuilt; emitter-appended) ---
"""Pipeline reference for scband-reddit-skip-1769526526257 (READ-ONLY COPY).

The authoritative reference and input builder live on the scoring server;
editing this copy changes nothing except your own understanding.
"""

import jax, jax.numpy as jnp
import numpy as np

N = 10000
E = 320000
NUM_SUBREDDITS = 20000
SUB_REP_DIM = 3
NODE_FEATURES = 6


def _lin(k, din, dout):
    k1, k2 = jax.random.split(k)
    bound = 1.0 / float(np.sqrt(din))
    W = jax.random.uniform(k1, (din, dout), dtype=jnp.float32, minval=-bound, maxval=bound)
    b = jax.random.uniform(k2, (dout,), dtype=jnp.float32, minval=-bound, maxval=bound)
    return W, b


def setup_inputs(seed: int = 0):
    key = jax.random.key(seed)
    ks = jax.random.split(key, 12)
    inp = {}
    inp['x'] = jax.random.normal(ks[0], (N, NODE_FEATURES), dtype=jnp.float32)
    inp['edge_index'] = jax.random.randint(ks[1], (2, E), 0, N, dtype=jnp.int32)
    inp['S'] = jax.random.uniform(ks[2], (N, NUM_SUBREDDITS), dtype=jnp.float32)
    inp['R'] = jax.random.uniform(ks[3], (NUM_SUBREDDITS, SUB_REP_DIM), dtype=jnp.float32)
    inp['We1'], inp['be1'] = _lin(ks[4], NODE_FEATURES + SUB_REP_DIM, 64)
    inp['We2'], inp['be2'] = _lin(ks[5], 64, 32)
    inp['Wg1'], inp['bg1'] = _lin(ks[6], 32, 32)
    inp['Wg2'], inp['bg2'] = _lin(ks[7], 32, 32)
    inp['Wp1'], inp['bp1'] = _lin(ks[8], 32, 32)
    inp['Wp2'], inp['bp2'] = _lin(ks[9], 32, 1)
    return inp


def gcn_conv(h, edge_index, W, b, n):
    # PyG GCNConv: add self-loops, symmetric normalization, scatter-add aggregate
    hw = h @ W
    loops = jnp.arange(n, dtype=edge_index.dtype)
    src = jnp.concatenate([edge_index[0], loops])
    dst = jnp.concatenate([edge_index[1], loops])
    deg = jnp.zeros((n,), dtype=h.dtype).at[dst].add(1.0)
    dinv = jax.lax.rsqrt(deg)  # deg >= 1 thanks to self loops
    norm = dinv[src] * dinv[dst]
    msg = hw[src] * norm[:, None]
    out = jnp.zeros((n, hw.shape[1]), dtype=h.dtype).at[dst].add(msg)
    return out + b


def mlp(x, W1, b1, W2, b2):
    return jnp.tanh(jnp.tanh(x @ W1 + b1) @ W2 + b2)


def reference(x, edge_index, S, R, We1, be1, We2, be2, Wg1, bg1, Wg2, bg2, Wp1, bp1, Wp2, bp2):
    n = x.shape[0]
    # AggregateSubreddits
    sub_agg = S @ R
    h = jnp.concatenate([x, sub_agg], axis=1)
    # MLP_embed
    h = mlp(h, We1, be1, We2, be2)
    # GCN1 -> relu (dropout is identity in eval mode)
    h = jax.nn.relu(gcn_conv(h, edge_index, Wg1, bg1, n))
    # GCN2 -> relu
    h = jax.nn.relu(gcn_conv(h, edge_index, Wg2, bg2, n))
    # MLP_pred
    return mlp(h, Wp1, bp1, Wp2, bp2)

if __name__ == "__main__":
    import jax
    _d = setup_inputs()
    print(jax.jit(kernel)(*tuple(_d.values())))

</pallas_src>

<mosaic_0001>
#map = affine_map<(d0, d1) -> (0, 0, 0)>
#map1 = affine_map<(d0, d1) -> (0, 0)>
module attributes {stable_mosaic.version = 14 : i64} {
  func.func @_agg_body(%arg0: i32, %arg1: i32, %arg2: memref<32x126x80xi32, #tpu.memory_space<hbm>>, %arg3: memref<32x126x80xi32, #tpu.memory_space<hbm>>, %arg4: memref<10000x32xf32, #tpu.memory_space<hbm>>, %arg5: memref<10240x32xf32, #tpu.memory_space<hbm>>, %arg6: memref<2x10240x32xf32, #tpu.memory_space<hbm>>, %arg7: memref<126x80xi32, #tpu.memory_space<vmem>>, %arg8: memref<126x80xi32, #tpu.memory_space<vmem>>, %arg9: memref<2x80x32xf32, #tpu.memory_space<vmem>>, %arg10: memref<10240x32xf32, #tpu.memory_space<vmem_shared>>, %arg11: memref<!tpu.dma_semaphore, #tpu.memory_space<semaphore_mem>>, %arg12: memref<!tpu.dma_semaphore, #tpu.memory_space<semaphore_mem>>) attributes {dimension_semantics = [#tpu.dimension_semantics<core_parallel>, #tpu.dimension_semantics<subcore_parallel>], iteration_bounds = array<i64: 2, 16>, scalar_prefetch = 0 : i64, scratch_operands = 6 : i64, tpu.core_type = #tpu.core_type<sc_vector_subcore>, window_params = [{transform_indices = #map}, {transform_indices = #map}, {transform_indices = #map1}, {transform_indices = #map1}, {transform_indices = #map}]} {
    %mul3A = arith.constant 2 : i32
    %mul3A_0 = arith.muli %arg1, %mul3A : i32
    %add3A = arith.addi %mul3A_0, %arg0 : i32
    %mul3A_1 = arith.constant 640 : i32
    %mul3A_2 = arith.muli %arg1, %mul3A_1 : i32
    "tpu.region"() ({
      %run_scoped3A_64 = tpu.sem_alloc : memref<!tpu.dma_semaphore, #tpu.memory_space<semaphore_mem>>
      %dma_start3A_65 = arith.constant 0 : i32
      %dma_start3A_66 = tpu.memref_slice %arg10[%mul3A_2, %dma_start3A_65] : memref<10240x32xf32, #tpu.memory_space<vmem_shared>> -> memref<640x32xf32, #tpu.memory_space<vmem_shared>>
      %dma_start3A_67 = arith.constant 0 : i32
      %dma_start3A_68 = tpu.memref_slice %arg5[%mul3A_2, %dma_start3A_67] : memref<10240x32xf32, #tpu.memory_space<hbm>> -> memref<640x32xf32, #tpu.memory_space<hbm>>
      tpu.enqueue_dma source(%dma_start3A_68 : memref<640x32xf32, #tpu.memory_space<hbm>>) target(%dma_start3A_66 : memref<640x32xf32, #tpu.memory_space<vmem_shared>>) target_semaphore(%run_scoped3A_64 : memref<!tpu.dma_semaphore, #tpu.memory_space<semaphore_mem>>)
      %dma_wait3A_69 = arith.constant 0 : i32
      %dma_wait3A_70 = tpu.memref_slice %arg10[%mul3A_2, %dma_wait3A_69] : memref<10240x32xf32, #tpu.memory_space<vmem_shared>> -> memref<640x32xf32, #tpu.memory_space<vmem_shared>>
      %dma_wait3A_71 = arith.constant 0 : i32
      %dma_wait3A_72 = tpu.memref_slice %arg5[%mul3A_2, %dma_wait3A_71] : memref<10240x32xf32, #tpu.memory_space<hbm>> -> memref<640x32xf32, #tpu.memory_space<hbm>>
      tpu.wait_dma2 semaphore(%run_scoped3A_64 : memref<!tpu.dma_semaphore, #tpu.memory_space<semaphore_mem>>) src(%dma_wait3A_72 : memref<640x32xf32, #tpu.memory_space<hbm>>) dst(%dma_wait3A_70 : memref<640x32xf32, #tpu.memory_space<vmem_shared>>)
      tpu.yield
    }) : () -> ()
    "tpu.region"() ({
      %run_scoped3A_64 = tpu.sem_alloc : memref<!tpu.dma_semaphore, #tpu.memory_space<semaphore_mem>>
      %dma_start3A_65 = arith.constant 0 : i32
      %dma_start3A_66 = arith.constant 0 : i32
      %dma_start3A_67 = tpu.memref_slice %arg2[%add3A, %dma_start3A_65, %dma_start3A_66] : memref<32x126x80xi32, #tpu.memory_space<hbm>> -> memref<1x126x80xi32, #tpu.memory_space<hbm>>
      %dma_start3A_68 = tpu.memref_squeeze %dma_start3A_67 : memref<1x126x80xi32, #tpu.memory_space<hbm>> -> memref<126x80xi32, #tpu.memory_space<hbm>>
      %dma_start3A_69 = arith.constant 0 : i32
      %dma_start3A_70 = arith.constant 0 : i32
      %dma_start3A_71 = tpu.memref_slice %arg2[%add3A, %dma_start3A_69, %dma_start3A_70] : memref<32x126x80xi32, #tpu.memory_space<hbm>> -> memref<1x126x80xi32, #tpu.memory_space<hbm>>
      %dma_start3A_72 = tpu.memref_squeeze %dma_start3A_71 : memref<1x126x80xi32, #tpu.memory_space<hbm>> -> memref<126x80xi32, #tpu.memory_space<hbm>>
      tpu.enqueue_dma source(%dma_start3A_72 : memref<126x80xi32, #tpu.memory_space<hbm>>) target(%arg7 : memref<126x80xi32, #tpu.memory_space<vmem>>) target_semaphore(%run_scoped3A_64 : memref<!tpu.dma_semaphore, #tpu.memory_space<semaphore_mem>>)
      %dma_wait3A_73 = arith.constant 0 : i32
      %dma_wait3A_74 = arith.constant 0 : i32
      %dma_wait3A_75 = tpu.memref_slice %arg2[%add3A, %dma_wait3A_73, %dma_wait3A_74] : memref<32x126x80xi32, #tpu.memory_space<hbm>> -> memref<1x126x80xi32, #tpu.memory_space<hbm>>
      %dma_wait3A_76 = tpu.memref_squeeze %dma_wait3A_75 : memref<1x126x80xi32, #tpu.memory_space<hbm>> -> memref<126x80xi32, #tpu.memory_space<hbm>>
      %dma_wait3A_77 = arith.constant 0 : i32
      %dma_wait3A_78 = arith.constant 0 : i32
      %dma_wait3A_79 = tpu.memref_slice %arg2[%add3A, %dma_wait3A_77, %dma_wait3A_78] : memref<32x126x80xi32, #tpu.memory_space<hbm>> -> memref<1x126x80xi32, #tpu.memory_space<hbm>>
      %dma_wait3A_80 = tpu.memref_squeeze %dma_wait3A_79 : memref<1x126x80xi32, #tpu.memory_space<hbm>> -> memref<126x80xi32, #tpu.memory_space<hbm>>
      tpu.wait_dma2 semaphore(%run_scoped3A_64 : memref<!tpu.dma_semaphore, #tpu.memory_space<semaphore_mem>>) src(%dma_wait3A_80 : memref<126x80xi32, #tpu.memory_space<hbm>>) dst(%arg7 : memref<126x80xi32, #tpu.memory_space<vmem>>)
      tpu.yield
    }) : () -> ()
    "tpu.region"() ({
      %run_scoped3A_64 = tpu.sem_alloc : memref<!tpu.dma_semaphore, #tpu.memory_space<semaphore_mem>>
      %dma_start3A_65 = arith.constant 0 : i32
      %dma_start3A_66 = arith.constant 0 : i32
      %dma_start3A_67 = tpu.memref_slice %arg3[%add3A, %dma_start3A_65, %dma_start3A_66] : memref<32x126x80xi32, #tpu.memory_space<hbm>> -> memref<1x126x80xi32, #tpu.memory_space<hbm>>
      %dma_start3A_68 = tpu.memref_squeeze %dma_start3A_67 : memref<1x126x80xi32, #tpu.memory_space<hbm>> -> memref<126x80xi32, #tpu.memory_space<hbm>>
      %dma_start3A_69 = arith.constant 0 : i32
      %dma_start3A_70 = arith.constant 0 : i32
      %dma_start3A_71 = tpu.memref_slice %arg3[%add3A, %dma_start3A_69, %dma_start3A_70] : memref<32x126x80xi32, #tpu.memory_space<hbm>> -> memref<1x126x80xi32, #tpu.memory_space<hbm>>
      %dma_start3A_72 = tpu.memref_squeeze %dma_start3A_71 : memref<1x126x80xi32, #tpu.memory_space<hbm>> -> memref<126x80xi32, #tpu.memory_space<hbm>>
      tpu.enqueue_dma source(%dma_start3A_72 : memref<126x80xi32, #tpu.memory_space<hbm>>) target(%arg8 : memref<126x80xi32, #tpu.memory_space<vmem>>) target_semaphore(%run_scoped3A_64 : memref<!tpu.dma_semaphore, #tpu.memory_space<semaphore_mem>>)
      %dma_wait3A_73 = arith.constant 0 : i32
      %dma_wait3A_74 = arith.constant 0 : i32
      %dma_wait3A_75 = tpu.memref_slice %arg3[%add3A, %dma_wait3A_73, %dma_wait3A_74] : memref<32x126x80xi32, #tpu.memory_space<hbm>> -> memref<1x126x80xi32, #tpu.memory_space<hbm>>
      %dma_wait3A_76 = tpu.memref_squeeze %dma_wait3A_75 : memref<1x126x80xi32, #tpu.memory_space<hbm>> -> memref<126x80xi32, #tpu.memory_space<hbm>>
      %dma_wait3A_77 = arith.constant 0 : i32
      %dma_wait3A_78 = arith.constant 0 : i32
      %dma_wait3A_79 = tpu.memref_slice %arg3[%add3A, %dma_wait3A_77, %dma_wait3A_78] : memref<32x126x80xi32, #tpu.memory_space<hbm>> -> memref<1x126x80xi32, #tpu.memory_space<hbm>>
      %dma_wait3A_80 = tpu.memref_squeeze %dma_wait3A_79 : memref<1x126x80xi32, #tpu.memory_space<hbm>> -> memref<126x80xi32, #tpu.memory_space<hbm>>
      tpu.wait_dma2 semaphore(%run_scoped3A_64 : memref<!tpu.dma_semaphore, #tpu.memory_space<semaphore_mem>>) src(%dma_wait3A_80 : memref<126x80xi32, #tpu.memory_space<hbm>>) dst(%arg8 : memref<126x80xi32, #tpu.memory_space<vmem>>)
      tpu.yield
    }) : () -> ()
    %barrier3A = arith.constant 0 : index
    tpu.barrier barrier_id(%barrier3A)
    %dma_start3A = arith.constant 0 : i32
    %dma_start3A_3 = arith.constant 0 : i32
    %dma_start3A_4 = arith.constant 0 : i32
    %dma_start3A_5 = arith.constant 0 : i32
    %dma_start3A_6 = tpu.memref_slice %arg9[%dma_start3A_3, %dma_start3A_4, %dma_start3A_5] : memref<2x80x32xf32, #tpu.memory_space<vmem>> -> memref<1x80x32xf32, #tpu.memory_space<vmem>>
    %dma_start3A_7 = tpu.memref_squeeze %dma_start3A_6 : memref<1x80x32xf32, #tpu.memory_space<vmem>> -> memref<80x32xf32, #tpu.memory_space<vmem>>
    %dma_start3A_8 = arith.constant 0 : i32
    %dma_start3A_9 = tpu.memref_slice %arg7[%dma_start3A, %dma_start3A_8] : memref<126x80xi32, #tpu.memory_space<vmem>> -> memref<1x80xi32, #tpu.memory_space<vmem>>
    %dma_start3A_10 = tpu.memref_squeeze %dma_start3A_9 : memref<1x80xi32, #tpu.memory_space<vmem>> -> memref<80xi32, #tpu.memory_space<vmem>>
    %dma_start3A_11 = arith.constant 0 : i32
    %dma_start3A_12 = arith.constant 0 : i32
    %dma_start3A_13 = tpu.memref_slice %arg4[%dma_start3A_11, %dma_start3A_12] : memref<10000x32xf32, #tpu.memory_space<hbm>> -> memref<10000x32xf32, #tpu.memory_space<hbm>>
    tpu.enqueue_indirect_dma source(%dma_start3A_13 : memref<10000x32xf32, #tpu.memory_space<hbm>>) target(%dma_start3A_7 : memref<80x32xf32, #tpu.memory_space<vmem>>) offsets(%dma_start3A_10 : memref<80xi32, #tpu.memory_space<vmem>>) semaphore(%arg11 : memref<!tpu.dma_semaphore, #tpu.memory_space<semaphore_mem>>)
    %dma_start3A_14 = arith.constant 1 : i32
    %dma_start3A_15 = arith.constant 1 : i32
    %dma_start3A_16 = arith.constant 0 : i32
    %dma_start3A_17 = arith.constant 0 : i32
    %dma_start3A_18 = tpu.memref_slice %arg9[%dma_start3A_15, %dma_start3A_16, %dma_start3A_17] : memref<2x80x32xf32, #tpu.memory_space<vmem>> -> memref<1x80x32xf32, #tpu.memory_space<vmem>>
    %dma_start3A_19 = tpu.memref_squeeze %dma_start3A_18 : memref<1x80x32xf32, #tpu.memory_space<vmem>> -> memref<80x32xf32, #tpu.memory_space<vmem>>
    %dma_start3A_20 = arith.constant 0 : i32
    %dma_start3A_21 = tpu.memref_slice %arg7[%dma_start3A_14, %dma_start3A_20] : memref<126x80xi32, #tpu.memory_space<vmem>> -> memref<1x80xi32, #tpu.memory_space<vmem>>
    %dma_start3A_22 = tpu.memref_squeeze %dma_start3A_21 : memref<1x80xi32, #tpu.memory_space<vmem>> -> memref<80xi32, #tpu.memory_space<vmem>>
    %dma_start3A_23 = arith.constant 0 : i32
    %dma_start3A_24 = arith.constant 0 : i32
    %dma_start3A_25 = tpu.memref_slice %arg4[%dma_start3A_23, %dma_start3A_24] : memref<10000x32xf32, #tpu.memory_space<hbm>> -> memref<10000x32xf32, #tpu.memory_space<hbm>>
    tpu.enqueue_indirect_dma source(%dma_start3A_25 : memref<10000x32xf32, #tpu.memory_space<hbm>>) target(%dma_start3A_19 : memref<80x32xf32, #tpu.memory_space<vmem>>) offsets(%dma_start3A_22 : memref<80xi32, #tpu.memory_space<vmem>>) semaphore(%arg12 : memref<!tpu.dma_semaphore, #tpu.memory_space<semaphore_mem>>)
    %scan3A = arith.constant 0 : i32
    %scan3A_26 = arith.constant 0 : i32
    %scan3A_27 = arith.constant 62 : i32
    %scan3A_28 = arith.addi %scan3A_26, %scan3A_27 : i32
    %scan3A_29 = arith.constant 1 : i32
    scf.for %scan3A_64 = %scan3A_26 to %scan3A_28 step %scan3A_29  : i32 {
      %mul3A_65 = arith.constant 2 : i32
      %mul3A_66 = arith.muli %mul3A_65, %scan3A_64 : i32
      %dma_wait3A_67 = arith.constant 0 : i32
      %dma_wait3A_68 = arith.constant 0 : i32
      %dma_wait3A_69 = arith.constant 0 : i32
      %dma_wait3A_70 = tpu.memref_slice %arg9[%dma_wait3A_67, %dma_wait3A_68, %dma_wait3A_69] : memref<2x80x32xf32, #tpu.memory_space<vmem>> -> memref<1x80x32xf32, #tpu.memory_space<vmem>>
      %dma_wait3A_71 = tpu.memref_squeeze %dma_wait3A_70 : memref<1x80x32xf32, #tpu.memory_space<vmem>> -> memref<80x32xf32, #tpu.memory_space<vmem>>
      %dma_wait3A_72 = arith.constant 0 : i32
      %dma_wait3A_73 = arith.constant 0 : i32
      %dma_wait3A_74 = tpu.memref_slice %arg4[%dma_wait3A_72, %dma_wait3A_73] : memref<10000x32xf32, #tpu.memory_space<hbm>> -> memref<80x32xf32, #tpu.memory_space<hbm>>
      %dma_wait3A_75 = arith.constant 0 : i32
      %dma_wait3A_76 = arith.constant 0 : i32
      %dma_wait3A_77 = tpu.memref_slice %arg9[%dma_wait3A_67, %dma_wait3A_75, %dma_wait3A_76] : memref<2x80x32xf32, #tpu.memory_space<vmem>> -> memref<1x80x32xf32, #tpu.memory_space<vmem>>
      %dma_wait3A_78 = tpu.memref_squeeze %dma_wait3A_77 : memref<1x80x32xf32, #tpu.memory_space<vmem>> -> memref<80x32xf32, #tpu.memory_space<vmem>>
      %dma_wait3A_79 = arith.constant 0 : i32
      %dma_wait3A_80 = arith.constant 0 : i32
      %dma_wait3A_81 = tpu.memref_slice %arg4[%dma_wait3A_79, %dma_wait3A_80] : memref<10000x32xf32, #tpu.memory_space<hbm>> -> memref<80x32xf32, #tpu.memory_space<hbm>>
      tpu.wait_dma2 semaphore(%arg11 : memref<!tpu.dma_semaphore, #tpu.memory_space<semaphore_mem>>) src(%dma_wait3A_81 : memref<80x32xf32, #tpu.memory_space<hbm>>) dst(%dma_wait3A_78 : memref<80x32xf32, #tpu.memory_space<vmem>>)
      %run_scoped3A_82 = arith.constant 0 : i32
      "tpu.region"() ({
        %run_scoped3A_127 = tpu.sem_alloc : memref<!tpu.dma_semaphore, #tpu.memory_space<semaphore_mem>>
        %dma_start3A_128 = arith.constant 0 : i32
        %dma_start3A_129 = arith.constant 0 : i32
        %dma_start3A_130 = tpu.memref_slice %arg9[%run_scoped3A_82, %dma_start3A_128, %dma_start3A_129] : memref<2x80x32xf32, #tpu.memory_space<vmem>> -> memref<1x80x32xf32, #tpu.memory_space<vmem>>
        %dma_start3A_131 = tpu.memref_squeeze %dma_start3A_130 : memref<1x80x32xf32, #tpu.memory_space<vmem>> -> memref<80x32xf32, #tpu.memory_space<vmem>>
        %dma_start3A_132 = arith.constant 0 : i32
        %dma_start3A_133 = tpu.memref_slice %arg8[%mul3A_66, %dma_start3A_132] : memref<126x80xi32, #tpu.memory_space<vmem>> -> memref<1x80xi32, #tpu.memory_space<vmem>>
        %dma_start3A_134 = tpu.memref_squeeze %dma_start3A_133 : memref<1x80xi32, #tpu.memory_space<vmem>> -> memref<80xi32, #tpu.memory_space<vmem>>
        %dma_start3A_135 = arith.constant 0 : i32
        %dma_start3A_136 = arith.constant 0 : i32
        %dma_start3A_137 = tpu.memref_slice %arg10[%dma_start3A_135, %dma_start3A_136] : memref<10240x32xf32, #tpu.memory_space<vmem_shared>> -> memref<10240x32xf32, #tpu.memory_space<vmem_shared>>
        tpu.enqueue_indirect_dma source(%dma_start3A_131 : memref<80x32xf32, #tpu.memory_space<vmem>>) target(%dma_start3A_137 : memref<10240x32xf32, #tpu.memory_space<vmem_shared>>) offsets(%dma_start3A_134 : memref<80xi32, #tpu.memory_space<vmem>>) semaphore(%run_scoped3A_127 : memref<!tpu.dma_semaphore, #tpu.memory_space<semaphore_mem>>) {add = true}
        %dma_wait3A_138 = arith.constant 0 : i32
        %dma_wait3A_139 = arith.constant 0 : i32
        %dma_wait3A_140 = tpu.memref_slice %arg9[%run_scoped3A_82, %dma_wait3A_138, %dma_wait3A_139] : memref<2x80x32xf32, #tpu.memory_space<vmem>> -> memref<1x80x32xf32, #tpu.memory_space<vmem>>
        %dma_wait3A_141 = tpu.memref_squeeze %dma_wait3A_140 : memref<1x80x32xf32, #tpu.memory_space<vmem>> -> memref<80x32xf32, #tpu.memory_space<vmem>>
        %dma_wait3A_142 = arith.constant 0 : i32
        %dma_wait3A_143 = tpu.memref_slice %arg8[%mul3A_66, %dma_wait3A_142] : memref<126x80xi32, #tpu.memory_space<vmem>> -> memref<1x80xi32, #tpu.memory_space<vmem>>
        %dma_wait3A_144 = tpu.memref_squeeze %dma_wait3A_143 : memref<1x80xi32, #tpu.memory_space<vmem>> -> memref<80xi32, #tpu.memory_space<vmem>>
        %dma_wait3A_145 = arith.constant 0 : i32
        %dma_wait3A_146 = arith.constant 0 : i32
        %dma_wait3A_147 = tpu.memref_slice %arg10[%dma_wait3A_145, %dma_wait3A_146] : memref<10240x32xf32, #tpu.memory_space<vmem_shared>> -> memref<10240x32xf32, #tpu.memory_space<vmem_shared>>
        tpu.wait_indirect_dma semaphore(%run_scoped3A_127 : memref<!tpu.dma_semaphore, #tpu.memory_space<semaphore_mem>>) src(%dma_wait3A_141 : memref<80x32xf32, #tpu.memory_space<vmem>>) dst(%dma_wait3A_147 : memref<10240x32xf32, #tpu.memory_space<vmem_shared>>)
        tpu.yield
      }) : () -> ()
      %add3A_83 = arith.constant 2 : i32
      %add3A_84 = arith.addi %mul3A_66, %add3A_83 : i32
      %dma_start3A_85 = arith.constant 0 : i32
      %dma_start3A_86 = arith.constant 0 : i32
      %dma_start3A_87 = arith.constant 0 : i32
      %dma_start3A_88 = tpu.memref_slice %arg9[%dma_start3A_85, %dma_start3A_86, %dma_start3A_87] : memref<2x80x32xf32, #tpu.memory_space<vmem>> -> memref<1x80x32xf32, #tpu.memory_space<vmem>>
      %dma_start3A_89 = tpu.memref_squeeze %dma_start3A_88 : memref<1x80x32xf32, #tpu.memory_space<vmem>> -> memref<80x32xf32, #tpu.memory_space<vmem>>
      %dma_start3A_90 = arith.constant 0 : i32
      %dma_start3A_91 = tpu.memref_slice %arg7[%add3A_84, %dma_start3A_90] : memref<126x80xi32, #tpu.memory_space<vmem>> -> memref<1x80xi32, #tpu.memory_space<vmem>>
      %dma_start3A_92 = tpu.memref_squeeze %dma_start3A_91 : memref<1x80xi32, #tpu.memory_space<vmem>> -> memref<80xi32, #tpu.memory_space<vmem>>
      %dma_start3A_93 = arith.constant 0 : i32
      %dma_start3A_94 = arith.constant 0 : i32
      %dma_start3A_95 = tpu.memref_slice %arg4[%dma_start3A_93, %dma_start3A_94] : memref<10000x32xf32, #tpu.memory_space<hbm>> -> memref<10000x32xf32, #tpu.memory_space<hbm>>
      tpu.enqueue_indirect_dma source(%dma_start3A_95 : memref<10000x32xf32, #tpu.memory_space<hbm>>) target(%dma_start3A_89 : memref<80x32xf32, #tpu.memory_space<vmem>>) offsets(%dma_start3A_92 : memref<80xi32, #tpu.memory_space<vmem>>) semaphore(%arg11 : memref<!tpu.dma_semaphore, #tpu.memory_space<semaphore_mem>>)
      %dma_wait3A_96 = arith.constant 1 : i32
      %dma_wait3A_97 = arith.constant 0 : i32
      %dma_wait3A_98 = arith.constant 0 : i32
      %dma_wait3A_99 = tpu.memref_slice %arg9[%dma_wait3A_96, %dma_wait3A_97, %dma_wait3A_98] : memref<2x80x32xf32, #tpu.memory_space<vmem>> -> memref<1x80x32xf32, #tpu.memory_space<vmem>>
      %dma_wait3A_100 = tpu.memref_squeeze %dma_wait3A_99 : memref<1x80x32xf32, #tpu.memory_space<vmem>> -> memref<80x32xf32, #tpu.memory_space<vmem>>
      %dma_wait3A_101 = arith.constant 0 : i32
      %dma_wait3A_102 = arith.constant 0 : i32
      %dma_wait3A_103 = tpu.memref_slice %arg4[%dma_wait3A_101, %dma_wait3A_102] : memref<10000x32xf32, #tpu.memory_space<hbm>> -> memref<80x32xf32, #tpu.memory_space<hbm>>
      %dma_wait3A_104 = arith.constant 0 : i32
      %dma_wait3A_105 = arith.constant 0 : i32
      %dma_wait3A_106 = tpu.memref_slice %arg9[%dma_wait3A_96, %dma_wait3A_104, %dma_wait3A_105] : memref<2x80x32xf32, #tpu.memory_space<vmem>> -> memref<1x80x32xf32, #tpu.memory_space<vmem>>
      %dma_wait3A_107 = tpu.memref_squeeze %dma_wait3A_106 : memref<1x80x32xf32, #tpu.memory_space<vmem>> -> memref<80x32xf32, #tpu.memory_space<vmem>>
      %dma_wait3A_108 = arith.constant 0 : i32
      %dma_wait3A_109 = arith.constant 0 : i32
      %dma_wait3A_110 = tpu.memref_slice %arg4[%dma_wait3A_108, %dma_wait3A_109] : memref<10000x32xf32, #tpu.memory_space<hbm>> -> memref<80x32xf32, #tpu.memory_space<hbm>>
      tpu.wait_dma2 semaphore(%arg12 : memref<!tpu.dma_semaphore, #tpu.memory_space<semaphore_mem>>) src(%dma_wait3A_110 : memref<80x32xf32, #tpu.memory_space<hbm>>) dst(%dma_wait3A_107 : memref<80x32xf32, #tpu.memory_space<vmem>>)
      %add3A_111 = arith.constant 1 : i32
      %add3A_112 = arith.addi %mul3A_66, %add3A_111 : i32
      %run_scoped3A_113 = arith.constant 1 : i32
      "tpu.region"() ({
        %run_scoped3A_127 = tpu.sem_alloc : memref<!tpu.dma_semaphore, #tpu.memory_space<semaphore_mem>>
        %dma_start3A_128 = arith.constant 0 : i32
        %dma_start3A_129 = arith.constant 0 : i32
        %dma_start3A_130 = tpu.memref_slice %arg9[%run_scoped3A_113, %dma_start3A_128, %dma_start3A_129] : memref<2x80x32xf32, #tpu.memory_space<vmem>> -> memref<1x80x32xf32, #tpu.memory_space<vmem>>
        %dma_start3A_131 = tpu.memref_squeeze %dma_start3A_130 : memref<1x80x32xf32, #tpu.memory_space<vmem>> -> memref<80x32xf32, #tpu.memory_space<vmem>>
        %dma_start3A_132 = arith.constant 0 : i32
        %dma_start3A_133 = tpu.memref_slice %arg8[%add3A_112, %dma_start3A_132] : memref<126x80xi32, #tpu.memory_space<vmem>> -> memref<1x80xi32, #tpu.memory_space<vmem>>
        %dma_start3A_134 = tpu.memref_squeeze %dma_start3A_133 : memref<1x80xi32, #tpu.memory_space<vmem>> -> memref<80xi32, #tpu.memory_space<vmem>>
        %dma_start3A_135 = arith.constant 0 : i32
        %dma_start3A_136 = arith.constant 0 : i32
        %dma_start3A_137 = tpu.memref_slice %arg10[%dma_start3A_135, %dma_start3A_136] : memref<10240x32xf32, #tpu.memory_space<vmem_shared>> -> memref<10240x32xf32, #tpu.memory_space<vmem_shared>>
        tpu.enqueue_indirect_dma source(%dma_start3A_131 : memref<80x32xf32, #tpu.memory_space<vmem>>) target(%dma_start3A_137 : memref<10240x32xf32, #tpu.memory_space<vmem_shared>>) offsets(%dma_start3A_134 : memref<80xi32, #tpu.memory_space<vmem>>) semaphore(%run_scoped3A_127 : memref<!tpu.dma_semaphore, #tpu.memory_space<semaphore_mem>>) {add = true}
        %dma_wait3A_138 = arith.constant 0 : i32
        %dma_wait3A_139 = arith.constant 0 : i32
        %dma_wait3A_140 = tpu.memref_slice %arg9[%run_scoped3A_113, %dma_wait3A_138, %dma_wait3A_139] : memref<2x80x32xf32, #tpu.memory_space<vmem>> -> memref<1x80x32xf32, #tpu.memory_space<vmem>>
        %dma_wait3A_141 = tpu.memref_squeeze %dma_wait3A_140 : memref<1x80x32xf32, #tpu.memory_space<vmem>> -> memref<80x32xf32, #tpu.memory_space<vmem>>
        %dma_wait3A_142 = arith.constant 0 : i32
        %dma_wait3A_143 = tpu.memref_slice %arg8[%add3A_112, %dma_wait3A_142] : memref<126x80xi32, #tpu.memory_space<vmem>> -> memref<1x80xi32, #tpu.memory_space<vmem>>
        %dma_wait3A_144 = tpu.memref_squeeze %dma_wait3A_143 : memref<1x80xi32, #tpu.memory_space<vmem>> -> memref<80xi32, #tpu.memory_space<vmem>>
        %dma_wait3A_145 = arith.constant 0 : i32
        %dma_wait3A_146 = arith.constant 0 : i32
        %dma_wait3A_147 = tpu.memref_slice %arg10[%dma_wait3A_145, %dma_wait3A_146] : memref<10240x32xf32, #tpu.memory_space<vmem_shared>> -> memref<10240x32xf32, #tpu.memory_space<vmem_shared>>
        tpu.wait_indirect_dma semaphore(%run_scoped3A_127 : memref<!tpu.dma_semaphore, #tpu.memory_space<semaphore_mem>>) src(%dma_wait3A_141 : memref<80x32xf32, #tpu.memory_space<vmem>>) dst(%dma_wait3A_147 : memref<10240x32xf32, #tpu.memory_space<vmem_shared>>)
        tpu.yield
      }) : () -> ()
      %add3A_114 = arith.constant 3 : i32
      %add3A_115 = arith.addi %mul3A_66, %add3A_114 : i32
      %dma_start3A_116 = arith.constant 1 : i32
      %dma_start3A_117 = arith.constant 0 : i32
      %dma_start3A_118 = arith.constant 0 : i32
      %dma_start3A_119 = tpu.memref_slice %arg9[%dma_start3A_116, %dma_start3A_117, %dma_start3A_118] : memref<2x80x32xf32, #tpu.memory_space<vmem>> -> memref<1x80x32xf32, #tpu.memory_space<vmem>>
      %dma_start3A_120 = tpu.memref_squeeze %dma_start3A_119 : memref<1x80x32xf32, #tpu.memory_space<vmem>> -> memref<80x32xf32, #tpu.memory_space<vmem>>
      %dma_start3A_121 = arith.constant 0 : i32
      %dma_start3A_122 = tpu.memref_slice %arg7[%add3A_115, %dma_start3A_121] : memref<126x80xi32, #tpu.memory_space<vmem>> -> memref<1x80xi32, #tpu.memory_space<vmem>>
      %dma_start3A_123 = tpu.memref_squeeze %dma_start3A_122 : memref<1x80xi32, #tpu.memory_space<vmem>> -> memref<80xi32, #tpu.memory_space<vmem>>
      %dma_start3A_124 = arith.constant 0 : i32
      %dma_start3A_125 = arith.constant 0 : i32
      %dma_start3A_126 = tpu.memref_slice %arg4[%dma_start3A_124, %dma_start3A_125] : memref<10000x32xf32, #tpu.memory_space<hbm>> -> memref<10000x32xf32, #tpu.memory_space<hbm>>
      tpu.enqueue_indirect_dma source(%dma_start3A_126 : memref<10000x32xf32, #tpu.memory_space<hbm>>) target(%dma_start3A_120 : memref<80x32xf32, #tpu.memory_space<vmem>>) offsets(%dma_start3A_123 : memref<80xi32, #tpu.memory_space<vmem>>) semaphore(%arg12 : memref<!tpu.dma_semaphore, #tpu.memory_space<semaphore_mem>>)
    }
    %scan3A_30 = arith.constant 62 : i32
    %dma_wait3A = arith.constant 0 : i32
    %dma_wait3A_31 = arith.constant 0 : i32
    %dma_wait3A_32 = arith.constant 0 : i32
    %dma_wait3A_33 = tpu.memref_slice %arg9[%dma_wait3A, %dma_wait3A_31, %dma_wait3A_32] : memref<2x80x32xf32, #tpu.memory_space<vmem>> -> memref<1x80x32xf32, #tpu.memory_space<vmem>>
    %dma_wait3A_34 = tpu.memref_squeeze %dma_wait3A_33 : memref<1x80x32xf32, #tpu.memory_space<vmem>> -> memref<80x32xf32, #tpu.memory_space<vmem>>
    %dma_wait3A_35 = arith.constant 0 : i32
    %dma_wait3A_36 = arith.constant 0 : i32
    %dma_wait3A_37 = tpu.memref_slice %arg4[%dma_wait3A_35, %dma_wait3A_36] : memref<10000x32xf32, #tpu.memory_space<hbm>> -> memref<80x32xf32, #tpu.memory_space<hbm>>
    %dma_wait3A_38 = arith.constant 0 : i32
    %dma_wait3A_39 = arith.constant 0 : i32
    %dma_wait3A_40 = tpu.memref_slice %arg9[%dma_wait3A, %dma_wait3A_38, %dma_wait3A_39] : memref<2x80x32xf32, #tpu.memory_space<vmem>> -> memref<1x80x32xf32, #tpu.memory_space<vmem>>
    %dma_wait3A_41 = tpu.memref_squeeze %dma_wait3A_40 : memref<1x80x32xf32, #tpu.memory_space<vmem>> -> memref<80x32xf32, #tpu.memory_space<vmem>>
    %dma_wait3A_42 = arith.constant 0 : i32
    %dma_wait3A_43 = arith.constant 0 : i32
    %dma_wait3A_44 = tpu.memref_slice %arg4[%dma_wait3A_42, %dma_wait3A_43] : memref<10000x32xf32, #tpu.memory_space<hbm>> -> memref<80x32xf32, #tpu.memory_space<hbm>>
    tpu.wait_dma2 semaphore(%arg11 : memref<!tpu.dma_semaphore, #tpu.memory_space<semaphore_mem>>) src(%dma_wait3A_44 : memref<80x32xf32, #tpu.memory_space<hbm>>) dst(%dma_wait3A_41 : memref<80x32xf32, #tpu.memory_space<vmem>>)
    %run_scoped3A = arith.constant 0 : i32
    %run_scoped3A_45 = arith.constant 124 : i32
    "tpu.region"() ({
      %run_scoped3A_64 = tpu.sem_alloc : memref<!tpu.dma_semaphore, #tpu.memory_space<semaphore_mem>>
      %dma_start3A_65 = arith.constant 0 : i32
      %dma_start3A_66 = arith.constant 0 : i32
      %dma_start3A_67 = tpu.memref_slice %arg9[%run_scoped3A, %dma_start3A_65, %dma_start3A_66] : memref<2x80x32xf32, #tpu.memory_space<vmem>> -> memref<1x80x32xf32, #tpu.memory_space<vmem>>
      %dma_start3A_68 = tpu.memref_squeeze %dma_start3A_67 : memref<1x80x32xf32, #tpu.memory_space<vmem>> -> memref<80x32xf32, #tpu.memory_space<vmem>>
      %dma_start3A_69 = arith.constant 0 : i32
      %dma_start3A_70 = tpu.memref_slice %arg8[%run_scoped3A_45, %dma_start3A_69] : memref<126x80xi32, #tpu.memory_space<vmem>> -> memref<1x80xi32, #tpu.memory_space<vmem>>
      %dma_start3A_71 = tpu.memref_squeeze %dma_start3A_70 : memref<1x80xi32, #tpu.memory_space<vmem>> -> memref<80xi32, #tpu.memory_space<vmem>>
      %dma_start3A_72 = arith.constant 0 : i32
      %dma_start3A_73 = arith.constant 0 : i32
      %dma_start3A_74 = tpu.memref_slice %arg10[%dma_start3A_72, %dma_start3A_73] : memref<10240x32xf32, #tpu.memory_space<vmem_shared>> -> memref<10240x32xf32, #tpu.memory_space<vmem_shared>>
      tpu.enqueue_indirect_dma source(%dma_start3A_68 : memref<80x32xf32, #tpu.memory_space<vmem>>) target(%dma_start3A_74 : memref<10240x32xf32, #tpu.memory_space<vmem_shared>>) offsets(%dma_start3A_71 : memref<80xi32, #tpu.memory_space<vmem>>) semaphore(%run_scoped3A_64 : memref<!tpu.dma_semaphore, #tpu.memory_space<semaphore_mem>>) {add = true}
      %dma_wait3A_75 = arith.constant 0 : i32
      %dma_wait3A_76 = arith.constant 0 : i32
      %dma_wait3A_77 = tpu.memref_slice %arg9[%run_scoped3A, %dma_wait3A_75, %dma_wait3A_76] : memref<2x80x32xf32, #tpu.memory_space<vmem>> -> memref<1x80x32xf32, #tpu.memory_space<vmem>>
      %dma_wait3A_78 = tpu.memref_squeeze %dma_wait3A_77 : memref<1x80x32xf32, #tpu.memory_space<vmem>> -> memref<80x32xf32, #tpu.memory_space<vmem>>
      %dma_wait3A_79 = arith.constant 0 : i32
      %dma_wait3A_80 = tpu.memref_slice %arg8[%run_scoped3A_45, %dma_wait3A_79] : memref<126x80xi32, #tpu.memory_space<vmem>> -> memref<1x80xi32, #tpu.memory_space<vmem>>
      %dma_wait3A_81 = tpu.memref_squeeze %dma_wait3A_80 : memref<1x80xi32, #tpu.memory_space<vmem>> -> memref<80xi32, #tpu.memory_space<vmem>>
      %dma_wait3A_82 = arith.constant 0 : i32
      %dma_wait3A_83 = arith.constant 0 : i32
      %dma_wait3A_84 = tpu.memref_slice %arg10[%dma_wait3A_82, %dma_wait3A_83] : memref<10240x32xf32, #tpu.memory_space<vmem_shared>> -> memref<10240x32xf32, #tpu.memory_space<vmem_shared>>
      tpu.wait_indirect_dma semaphore(%run_scoped3A_64 : memref<!tpu.dma_semaphore, #tpu.memory_space<semaphore_mem>>) src(%dma_wait3A_78 : memref<80x32xf32, #tpu.memory_space<vmem>>) dst(%dma_wait3A_84 : memref<10240x32xf32, #tpu.memory_space<vmem_shared>>)
      tpu.yield
    }) : () -> ()
    %dma_wait3A_46 = arith.constant 1 : i32
    %dma_wait3A_47 = arith.constant 0 : i32
    %dma_wait3A_48 = arith.constant 0 : i32
    %dma_wait3A_49 = tpu.memref_slice %arg9[%dma_wait3A_46, %dma_wait3A_47, %dma_wait3A_48] : memref<2x80x32xf32, #tpu.memory_space<vmem>> -> memref<1x80x32xf32, #tpu.memory_space<vmem>>
    %dma_wait3A_50 = tpu.memref_squeeze %dma_wait3A_49 : memref<1x80x32xf32, #tpu.memory_space<vmem>> -> memref<80x32xf32, #tpu.memory_space<vmem>>
    %dma_wait3A_51 = arith.constant 0 : i32
    %dma_wait3A_52 = arith.constant 0 : i32
    %dma_wait3A_53 = tpu.memref_slice %arg4[%dma_wait3A_51, %dma_wait3A_52] : memref<10000x32xf32, #tpu.memory_space<hbm>> -> memref<80x32xf32, #tpu.memory_space<hbm>>
    %dma_wait3A_54 = arith.constant 0 : i32
    %dma_wait3A_55 = arith.constant 0 : i32
    %dma_wait3A_56 = tpu.memref_slice %arg9[%dma_wait3A_46, %dma_wait3A_54, %dma_wait3A_55] : memref<2x80x32xf32, #tpu.memory_space<vmem>> -> memref<1x80x32xf32, #tpu.memory_space<vmem>>
    %dma_wait3A_57 = tpu.memref_squeeze %dma_wait3A_56 : memref<1x80x32xf32, #tpu.memory_space<vmem>> -> memref<80x32xf32, #tpu.memory_space<vmem>>
    %dma_wait3A_58 = arith.constant 0 : i32
    %dma_wait3A_59 = arith.constant 0 : i32
    %dma_wait3A_60 = tpu.memref_slice %arg4[%dma_wait3A_58, %dma_wait3A_59] : memref<10000x32xf32, #tpu.memory_space<hbm>> -> memref<80x32xf32, #tpu.memory_space<hbm>>
    tpu.wait_dma2 semaphore(%arg12 : memref<!tpu.dma_semaphore, #tpu.memory_space<semaphore_mem>>) src(%dma_wait3A_60 : memref<80x32xf32, #tpu.memory_space<hbm>>) dst(%dma_wait3A_57 : memref<80x32xf32, #tpu.memory_space<vmem>>)
    %run_scoped3A_61 = arith.constant 1 : i32
    %run_scoped3A_62 = arith.constant 125 : i32
    "tpu.region"() ({
      %run_scoped3A_64 = tpu.sem_alloc : memref<!tpu.dma_semaphore, #tpu.memory_space<semaphore_mem>>
      %dma_start3A_65 = arith.constant 0 : i32
      %dma_start3A_66 = arith.constant 0 : i32
      %dma_start3A_67 = tpu.memref_slice %arg9[%run_scoped3A_61, %dma_start3A_65, %dma_start3A_66] : memref<2x80x32xf32, #tpu.memory_space<vmem>> -> memref<1x80x32xf32, #tpu.memory_space<vmem>>
      %dma_start3A_68 = tpu.memref_squeeze %dma_start3A_67 : memref<1x80x32xf32, #tpu.memory_space<vmem>> -> memref<80x32xf32, #tpu.memory_space<vmem>>
      %dma_start3A_69 = arith.constant 0 : i32
      %dma_start3A_70 = tpu.memref_slice %arg8[%run_scoped3A_62, %dma_start3A_69] : memref<126x80xi32, #tpu.memory_space<vmem>> -> memref<1x80xi32, #tpu.memory_space<vmem>>
      %dma_start3A_71 = tpu.memref_squeeze %dma_start3A_70 : memref<1x80xi32, #tpu.memory_space<vmem>> -> memref<80xi32, #tpu.memory_space<vmem>>
      %dma_start3A_72 = arith.constant 0 : i32
      %dma_start3A_73 = arith.constant 0 : i32
      %dma_start3A_74 = tpu.memref_slice %arg10[%dma_start3A_72, %dma_start3A_73] : memref<10240x32xf32, #tpu.memory_space<vmem_shared>> -> memref<10240x32xf32, #tpu.memory_space<vmem_shared>>
      tpu.enqueue_indirect_dma source(%dma_start3A_68 : memref<80x32xf32, #tpu.memory_space<vmem>>) target(%dma_start3A_74 : memref<10240x32xf32, #tpu.memory_space<vmem_shared>>) offsets(%dma_start3A_71 : memref<80xi32, #tpu.memory_space<vmem>>) semaphore(%run_scoped3A_64 : memref<!tpu.dma_semaphore, #tpu.memory_space<semaphore_mem>>) {add = true}
      %dma_wait3A_75 = arith.constant 0 : i32
      %dma_wait3A_76 = arith.constant 0 : i32
      %dma_wait3A_77 = tpu.memref_slice %arg9[%run_scoped3A_61, %dma_wait3A_75, %dma_wait3A_76] : memref<2x80x32xf32, #tpu.memory_space<vmem>> -> memref<1x80x32xf32, #tpu.memory_space<vmem>>
      %dma_wait3A_78 = tpu.memref_squeeze %dma_wait3A_77 : memref<1x80x32xf32, #tpu.memory_space<vmem>> -> memref<80x32xf32, #tpu.memory_space<vmem>>
      %dma_wait3A_79 = arith.constant 0 : i32
      %dma_wait3A_80 = tpu.memref_slice %arg8[%run_scoped3A_62, %dma_wait3A_79] : memref<126x80xi32, #tpu.memory_space<vmem>> -> memref<1x80xi32, #tpu.memory_space<vmem>>
      %dma_wait3A_81 = tpu.memref_squeeze %dma_wait3A_80 : memref<1x80xi32, #tpu.memory_space<vmem>> -> memref<80xi32, #tpu.memory_space<vmem>>
      %dma_wait3A_82 = arith.constant 0 : i32
      %dma_wait3A_83 = arith.constant 0 : i32
      %dma_wait3A_84 = tpu.memref_slice %arg10[%dma_wait3A_82, %dma_wait3A_83] : memref<10240x32xf32, #tpu.memory_space<vmem_shared>> -> memref<10240x32xf32, #tpu.memory_space<vmem_shared>>
      tpu.wait_indirect_dma semaphore(%run_scoped3A_64 : memref<!tpu.dma_semaphore, #tpu.memory_space<semaphore_mem>>) src(%dma_wait3A_78 : memref<80x32xf32, #tpu.memory_space<vmem>>) dst(%dma_wait3A_84 : memref<10240x32xf32, #tpu.memory_space<vmem_shared>>)
      tpu.yield
    }) : () -> ()
    %barrier3A_63 = arith.constant 0 : index
    tpu.barrier barrier_id(%barrier3A_63)
    "tpu.region"() ({
      %run_scoped3A_64 = tpu.sem_alloc : memref<!tpu.dma_semaphore, #tpu.memory_space<semaphore_mem>>
      %dma_start3A_65 = arith.constant 0 : i32
      %dma_start3A_66 = tpu.memref_slice %arg6[%arg0, %mul3A_2, %dma_start3A_65] : memref<2x10240x32xf32, #tpu.memory_space<hbm>> -> memref<1x640x32xf32, #tpu.memory_space<hbm>>
      %dma_start3A_67 = tpu.memref_squeeze %dma_start3A_66 : memref<1x640x32xf32, #tpu.memory_space<hbm>> -> memref<640x32xf32, #tpu.memory_space<hbm>>
      %dma_start3A_68 = arith.constant 0 : i32
      %dma_start3A_69 = tpu.memref_slice %arg10[%mul3A_2, %dma_start3A_68] : memref<10240x32xf32, #tpu.memory_space<vmem_shared>> -> memref<640x32xf32, #tpu.memory_space<vmem_shared>>
      tpu.enqueue_dma source(%dma_start3A_69 : memref<640x32xf32, #tpu.memory_space<vmem_shared>>) target(%dma_start3A_67 : memref<640x32xf32, #tpu.memory_space<hbm>>) target_semaphore(%run_scoped3A_64 : memref<!tpu.dma_semaphore, #tpu.memory_space<semaphore_mem>>)
      %dma_wait3A_70 = arith.constant 0 : i32
      %dma_wait3A_71 = tpu.memref_slice %arg6[%arg0, %mul3A_2, %dma_wait3A_70] : memref<2x10240x32xf32, #tpu.memory_space<hbm>> -> memref<1x640x32xf32, #tpu.memory_space<hbm>>
      %dma_wait3A_72 = tpu.memref_squeeze %dma_wait3A_71 : memref<1x640x32xf32, #tpu.memory_space<hbm>> -> memref<640x32xf32, #tpu.memory_space<hbm>>
      %dma_wait3A_73 = arith.constant 0 : i32
      %dma_wait3A_74 = tpu.memref_slice %arg10[%mul3A_2, %dma_wait3A_73] : memref<10240x32xf32, #tpu.memory_space<vmem_shared>> -> memref<640x32xf32, #tpu.memory_space<vmem_shared>>
      tpu.wait_dma2 semaphore(%run_scoped3A_64 : memref<!tpu.dma_semaphore, #tpu.memory_space<semaphore_mem>>) src(%dma_wait3A_74 : memref<640x32xf32, #tpu.memory_space<vmem_shared>>) dst(%dma_wait3A_72 : memref<640x32xf32, #tpu.memory_space<hbm>>)
      tpu.yield
    }) : () -> ()
    return
  }
}

#map = affine_map<(d0, d1) -> (0, 0, 0)>
#map1 = affine_map<(d0, d1) -> (0, 0)>
module attributes {stable_mosaic.version = 14 : i64} {
  func.func @_agg_body(%arg0: i32, %arg1: i32, %arg2: memref<32x126x80xi32, #tpu.memory_space<hbm>>, %arg3: memref<32x126x80xi32, #tpu.memory_space<hbm>>, %arg4: memref<10000x32xf32, #tpu.memory_space<hbm>>, %arg5: memref<10240x32xf32, #tpu.memory_space<hbm>>, %arg6: memref<2x10240x32xf32, #tpu.memory_space<hbm>>, %arg7: memref<126x80xi32, #tpu.memory_space<vmem>>, %arg8: memref<126x80xi32, #tpu.memory_space<vmem>>, %arg9: memref<2x80x32xf32, #tpu.memory_space<vmem>>, %arg10: memref<10240x32xf32, #tpu.memory_space<vmem_shared>>, %arg11: memref<!tpu.dma_semaphore, #tpu.memory_space<semaphore_mem>>, %arg12: memref<!tpu.dma_semaphore, #tpu.memory_space<semaphore_mem>>) attributes {dimension_semantics = [#tpu.dimension_semantics<core_parallel>, #tpu.dimension_semantics<subcore_parallel>], iteration_bounds = array<i64: 2, 16>, scalar_prefetch = 0 : i64, scratch_operands = 6 : i64, tpu.core_type = #tpu.core_type<sc_vector_subcore>, window_params = [{transform_indices = #map}, {transform_indices = #map}, {transform_indices = #map1}, {transform_indices = #map1}, {transform_indices = #map}]} {
    %mul3A = arith.constant 2 : i32
    %mul3A_0 = arith.muli %arg1, %mul3A : i32
    %add3A = arith.addi %mul3A_0, %arg0 : i32
    %mul3A_1 = arith.constant 640 : i32
    %mul3A_2 = arith.muli %arg1, %mul3A_1 : i32
    "tpu.region"() ({
      %run_scoped3A_64 = tpu.sem_alloc : memref<!tpu.dma_semaphore, #tpu.memory_space<semaphore_mem>>
      %dma_start3A_65 = arith.constant 0 : i32
      %dma_start3A_66 = tpu.memref_slice %arg10[%mul3A_2, %dma_start3A_65] : memref<10240x32xf32, #tpu.memory_space<vmem_shared>> -> memref<640x32xf32, #tpu.memory_space<vmem_shared>>
      %dma_start3A_67 = arith.constant 0 : i32
      %dma_start3A_68 = tpu.memref_slice %arg5[%mul3A_2, %dma_start3A_67] : memref<10240x32xf32, #tpu.memory_space<hbm>> -> memref<640x32xf32, #tpu.memory_space<hbm>>
      tpu.enqueue_dma source(%dma_start3A_68 : memref<640x32xf32, #tpu.memory_space<hbm>>) target(%dma_start3A_66 : memref<640x32xf32, #tpu.memory_space<vmem_shared>>) target_semaphore(%run_scoped3A_64 : memref<!tpu.dma_semaphore, #tpu.memory_space<semaphore_mem>>)
      %dma_wait3A_69 = arith.constant 0 : i32
      %dma_wait3A_70 = tpu.memref_slice %arg10[%mul3A_2, %dma_wait3A_69] : memref<10240x32xf32, #tpu.memory_space<vmem_shared>> -> memref<640x32xf32, #tpu.memory_space<vmem_shared>>
      %dma_wait3A_71 = arith.constant 0 : i32
      %dma_wait3A_72 = tpu.memref_slice %arg5[%mul3A_2, %dma_wait3A_71] : memref<10240x32xf32, #tpu.memory_space<hbm>> -> memref<640x32xf32, #tpu.memory_space<hbm>>
      tpu.wait_dma2 semaphore(%run_scoped3A_64 : memref<!tpu.dma_semaphore, #tpu.memory_space<semaphore_mem>>) src(%dma_wait3A_72 : memref<640x32xf32, #tpu.memory_space<hbm>>) dst(%dma_wait3A_70 : memref<640x32xf32, #tpu.memory_space<vmem_shared>>)
      tpu.yield
    }) : () -> ()
    "tpu.region"() ({
      %run_scoped3A_64 = tpu.sem_alloc : memref<!tpu.dma_semaphore, #tpu.memory_space<semaphore_mem>>
      %dma_start3A_65 = arith.constant 0 : i32
      %dma_start3A_66 = arith.constant 0 : i32
      %dma_start3A_67 = tpu.memref_slice %arg2[%add3A, %dma_start3A_65, %dma_start3A_66] : memref<32x126x80xi32, #tpu.memory_space<hbm>> -> memref<1x126x80xi32, #tpu.memory_space<hbm>>
      %dma_start3A_68 = tpu.memref_squeeze %dma_start3A_67 : memref<1x126x80xi32, #tpu.memory_space<hbm>> -> memref<126x80xi32, #tpu.memory_space<hbm>>
      %dma_start3A_69 = arith.constant 0 : i32
      %dma_start3A_70 = arith.constant 0 : i32
      %dma_start3A_71 = tpu.memref_slice %arg2[%add3A, %dma_start3A_69, %dma_start3A_70] : memref<32x126x80xi32, #tpu.memory_space<hbm>> -> memref<1x126x80xi32, #tpu.memory_space<hbm>>
      %dma_start3A_72 = tpu.memref_squeeze %dma_start3A_71 : memref<1x126x80xi32, #tpu.memory_space<hbm>> -> memref<126x80xi32, #tpu.memory_space<hbm>>
      tpu.enqueue_dma source(%dma_start3A_72 : memref<126x80xi32, #tpu.memory_space<hbm>>) target(%arg7 : memref<126x80xi32, #tpu.memory_space<vmem>>) target_semaphore(%run_scoped3A_64 : memref<!tpu.dma_semaphore, #tpu.memory_space<semaphore_mem>>)
      %dma_wait3A_73 = arith.constant 0 : i32
      %dma_wait3A_74 = arith.constant 0 : i32
      %dma_wait3A_75 = tpu.memref_slice %arg2[%add3A, %dma_wait3A_73, %dma_wait3A_74] : memref<32x126x80xi32, #tpu.memory_space<hbm>> -> memref<1x126x80xi32, #tpu.memory_space<hbm>>
      %dma_wait3A_76 = tpu.memref_squeeze %dma_wait3A_75 : memref<1x126x80xi32, #tpu.memory_space<hbm>> -> memref<126x80xi32, #tpu.memory_space<hbm>>
      %dma_wait3A_77 = arith.constant 0 : i32
      %dma_wait3A_78 = arith.constant 0 : i32
      %dma_wait3A_79 = tpu.memref_slice %arg2[%add3A, %dma_wait3A_77, %dma_wait3A_78] : memref<32x126x80xi32, #tpu.memory_space<hbm>> -> memref<1x126x80xi32, #tpu.memory_space<hbm>>
      %dma_wait3A_80 = tpu.memref_squeeze %dma_wait3A_79 : memref<1x126x80xi32, #tpu.memory_space<hbm>> -> memref<126x80xi32, #tpu.memory_space<hbm>>
      tpu.wait_dma2 semaphore(%run_scoped3A_64 : memref<!tpu.dma_semaphore, #tpu.memory_space<semaphore_mem>>) src(%dma_wait3A_80 : memref<126x80xi32, #tpu.memory_space<hbm>>) dst(%arg7 : memref<126x80xi32, #tpu.memory_space<vmem>>)
      tpu.yield
    }) : () -> ()
    "tpu.region"() ({
      %run_scoped3A_64 = tpu.sem_alloc : memref<!tpu.dma_semaphore, #tpu.memory_space<semaphore_mem>>
      %dma_start3A_65 = arith.constant 0 : i32
      %dma_start3A_66 = arith.constant 0 : i32
      %dma_start3A_67 = tpu.memref_slice %arg3[%add3A, %dma_start3A_65, %dma_start3A_66] : memref<32x126x80xi32, #tpu.memory_space<hbm>> -> memref<1x126x80xi32, #tpu.memory_space<hbm>>
      %dma_start3A_68 = tpu.memref_squeeze %dma_start3A_67 : memref<1x126x80xi32, #tpu.memory_space<hbm>> -> memref<126x80xi32, #tpu.memory_space<hbm>>
      %dma_start3A_69 = arith.constant 0 : i32
      %dma_start3A_70 = arith.constant 0 : i32
      %dma_start3A_71 = tpu.memref_slice %arg3[%add3A, %dma_start3A_69, %dma_start3A_70] : memref<32x126x80xi32, #tpu.memory_space<hbm>> -> memref<1x126x80xi32, #tpu.memory_space<hbm>>
      %dma_start3A_72 = tpu.memref_squeeze %dma_start3A_71 : memref<1x126x80xi32, #tpu.memory_space<hbm>> -> memref<126x80xi32, #tpu.memory_space<hbm>>
      tpu.enqueue_dma source(%dma_start3A_72 : memref<126x80xi32, #tpu.memory_space<hbm>>) target(%arg8 : memref<126x80xi32, #tpu.memory_space<vmem>>) target_semaphore(%run_scoped3A_64 : memref<!tpu.dma_semaphore, #tpu.memory_space<semaphore_mem>>)
      %dma_wait3A_73 = arith.constant 0 : i32
      %dma_wait3A_74 = arith.constant 0 : i32
      %dma_wait3A_75 = tpu.memref_slice %arg3[%add3A, %dma_wait3A_73, %dma_wait3A_74] : memref<32x126x80xi32, #tpu.memory_space<hbm>> -> memref<1x126x80xi32, #tpu.memory_space<hbm>>
      %dma_wait3A_76 = tpu.memref_squeeze %dma_wait3A_75 : memref<1x126x80xi32, #tpu.memory_space<hbm>> -> memref<126x80xi32, #tpu.memory_space<hbm>>
      %dma_wait3A_77 = arith.constant 0 : i32
      %dma_wait3A_78 = arith.constant 0 : i32
      %dma_wait3A_79 = tpu.memref_slice %arg3[%add3A, %dma_wait3A_77, %dma_wait3A_78] : memref<32x126x80xi32, #tpu.memory_space<hbm>> -> memref<1x126x80xi32, #tpu.memory_space<hbm>>
      %dma_wait3A_80 = tpu.memref_squeeze %dma_wait3A_79 : memref<1x126x80xi32, #tpu.memory_space<hbm>> -> memref<126x80xi32, #tpu.memory_space<hbm>>
      tpu.wait_dma2 semaphore(%run_scoped3A_64 : memref<!tpu.dma_semaphore, #tpu.memory_space<semaphore_mem>>) src(%dma_wait3A_80 : memref<126x80xi32, #tpu.memory_space<hbm>>) dst(%arg8 : memref<126x80xi32, #tpu.memory_space<vmem>>)
      tpu.yield
    }) : () -> ()
    %barrier3A = arith.constant 0 : index
    tpu.barrier barrier_id(%barrier3A)
    %dma_start3A = arith.constant 0 : i32
    %dma_start3A_3 = arith.constant 0 : i32
    %dma_start3A_4 = arith.constant 0 : i32
    %dma_start3A_5 = arith.constant 0 : i32
    %dma_start3A_6 = tpu.memref_slice %arg9[%dma_start3A_3, %dma_start3A_4, %dma_start3A_5] : memref<2x80x32xf32, #tpu.memory_space<vmem>> -> memref<1x80x32xf32, #tpu.memory_space<vmem>>
    %dma_start3A_7 = tpu.memref_squeeze %dma_start3A_6 : memref<1x80x32xf32, #tpu.memory_space<vmem>> -> memref<80x32xf32, #tpu.memory_space<vmem>>
    %dma_start3A_8 = arith.constant 0 : i32
    %dma_start3A_9 = tpu.memref_slice %arg7[%dma_start3A, %dma_start3A_8] : memref<126x80xi32, #tpu.memory_space<vmem>> -> memref<1x80xi32, #tpu.memory_space<vmem>>
    %dma_start3A_10 = tpu.memref_squeeze %dma_start3A_9 : memref<1x80xi32, #tpu.memory_space<vmem>> -> memref<80xi32, #tpu.memory_space<vmem>>
    %dma_start3A_11 = arith.constant 0 : i32
    %dma_start3A_12 = arith.constant 0 : i32
    %dma_start3A_13 = tpu.memref_slice %arg4[%dma_start3A_11, %dma_start3A_12] : memref<10000x32xf32, #tpu.memory_space<hbm>> -> memref<10000x32xf32, #tpu.memory_space<hbm>>
    tpu.enqueue_indirect_dma source(%dma_start3A_13 : memref<10000x32xf32, #tpu.memory_space<hbm>>) target(%dma_start3A_7 : memref<80x32xf32, #tpu.memory_space<vmem>>) offsets(%dma_start3A_10 : memref<80xi32, #tpu.memory_space<vmem>>) semaphore(%arg11 : memref<!tpu.dma_semaphore, #tpu.memory_space<semaphore_mem>>)
    %dma_start3A_14 = arith.constant 1 : i32
    %dma_start3A_15 = arith.constant 1 : i32
    %dma_start3A_16 = arith.constant 0 : i32
    %dma_start3A_17 = arith.constant 0 : i32
    %dma_start3A_18 = tpu.memref_slice %arg9[%dma_start3A_15, %dma_start3A_16, %dma_start3A_17] : memref<2x80x32xf32, #tpu.memory_space<vmem>> -> memref<1x80x32xf32, #tpu.memory_space<vmem>>
    %dma_start3A_19 = tpu.memref_squeeze %dma_start3A_18 : memref<1x80x32xf32, #tpu.memory_space<vmem>> -> memref<80x32xf32, #tpu.memory_space<vmem>>
    %dma_start3A_20 = arith.constant 0 : i32
    %dma_start3A_21 = tpu.memref_slice %arg7[%dma_start3A_14, %dma_start3A_20] : memref<126x80xi32, #tpu.memory_space<vmem>> -> memref<1x80xi32, #tpu.memory_space<vmem>>
    %dma_start3A_22 = tpu.memref_squeeze %dma_start3A_21 : memref<1x80xi32, #tpu.memory_space<vmem>> -> memref<80xi32, #tpu.memory_space<vmem>>
    %dma_start3A_23 = arith.constant 0 : i32
    %dma_start3A_24 = arith.constant 0 : i32
    %dma_start3A_25 = tpu.memref_slice %arg4[%dma_start3A_23, %dma_start3A_24] : memref<10000x32xf32, #tpu.memory_space<hbm>> -> memref<10000x32xf32, #tpu.memory_space<hbm>>
    tpu.enqueue_indirect_dma source(%dma_start3A_25 : memref<10000x32xf32, #tpu.memory_space<hbm>>) target(%dma_start3A_19 : memref<80x32xf32, #tpu.memory_space<vmem>>) offsets(%dma_start3A_22 : memref<80xi32, #tpu.memory_space<vmem>>) semaphore(%arg12 : memref<!tpu.dma_semaphore, #tpu.memory_space<semaphore_mem>>)
    %scan3A = arith.constant 0 : i32
    %scan3A_26 = arith.constant 0 : i32
    %scan3A_27 = arith.constant 62 : i32
    %scan3A_28 = arith.addi %scan3A_26, %scan3A_27 : i32
    %scan3A_29 = arith.constant 1 : i32
    scf.for %scan3A_64 = %scan3A_26 to %scan3A_28 step %scan3A_29  : i32 {
      %mul3A_65 = arith.constant 2 : i32
      %mul3A_66 = arith.muli %mul3A_65, %scan3A_64 : i32
      %dma_wait3A_67 = arith.constant 0 : i32
      %dma_wait3A_68 = arith.constant 0 : i32
      %dma_wait3A_69 = arith.constant 0 : i32
      %dma_wait3A_70 = tpu.memref_slice %arg9[%dma_wait3A_67, %dma_wait3A_68, %dma_wait3A_69] : memref<2x80x32xf32, #tpu.memory_space<vmem>> -> memref<1x80x32xf32, #tpu.memory_space<vmem>>
      %dma_wait3A_71 = tpu.memref_squeeze %dma_wait3A_70 : memref<1x80x32xf32, #tpu.memory_space<vmem>> -> memref<80x32xf32, #tpu.memory_space<vmem>>
      %dma_wait3A_72 = arith.constant 0 : i32
      %dma_wait3A_73 = arith.constant 0 : i32
      %dma_wait3A_74 = tpu.memref_slice %arg4[%dma_wait3A_72, %dma_wait3A_73] : memref<10000x32xf32, #tpu.memory_space<hbm>> -> memref<80x32xf32, #tpu.memory_space<hbm>>
      %dma_wait3A_75 = arith.constant 0 : i32
      %dma_wait3A_76 = arith.constant 0 : i32
      %dma_wait3A_77 = tpu.memref_slice %arg9[%dma_wait3A_67, %dma_wait3A_75, %dma_wait3A_76] : memref<2x80x32xf32, #tpu.memory_space<vmem>> -> memref<1x80x32xf32, #tpu.memory_space<vmem>>
      %dma_wait3A_78 = tpu.memref_squeeze %dma_wait3A_77 : memref<1x80x32xf32, #tpu.memory_space<vmem>> -> memref<80x32xf32, #tpu.memory_space<vmem>>
      %dma_wait3A_79 = arith.constant 0 : i32
      %dma_wait3A_80 = arith.constant 0 : i32
      %dma_wait3A_81 = tpu.memref_slice %arg4[%dma_wait3A_79, %dma_wait3A_80] : memref<10000x32xf32, #tpu.memory_space<hbm>> -> memref<80x32xf32, #tpu.memory_space<hbm>>
      tpu.wait_dma2 semaphore(%arg11 : memref<!tpu.dma_semaphore, #tpu.memory_space<semaphore_mem>>) src(%dma_wait3A_81 : memref<80x32xf32, #tpu.memory_space<hbm>>) dst(%dma_wait3A_78 : memref<80x32xf32, #tpu.memory_space<vmem>>)
      %run_scoped3A_82 = arith.constant 0 : i32
      "tpu.region"() ({
        %run_scoped3A_127 = tpu.sem_alloc : memref<!tpu.dma_semaphore, #tpu.memory_space<semaphore_mem>>
        %dma_start3A_128 = arith.constant 0 : i32
        %dma_start3A_129 = arith.constant 0 : i32
        %dma_start3A_130 = tpu.memref_slice %arg9[%run_scoped3A_82, %dma_start3A_128, %dma_start3A_129] : memref<2x80x32xf32, #tpu.memory_space<vmem>> -> memref<1x80x32xf32, #tpu.memory_space<vmem>>
        %dma_start3A_131 = tpu.memref_squeeze %dma_start3A_130 : memref<1x80x32xf32, #tpu.memory_space<vmem>> -> memref<80x32xf32, #tpu.memory_space<vmem>>
        %dma_start3A_132 = arith.constant 0 : i32
        %dma_start3A_133 = tpu.memref_slice %arg8[%mul3A_66, %dma_start3A_132] : memref<126x80xi32, #tpu.memory_space<vmem>> -> memref<1x80xi32, #tpu.memory_space<vmem>>
        %dma_start3A_134 = tpu.memref_squeeze %dma_start3A_133 : memref<1x80xi32, #tpu.memory_space<vmem>> -> memref<80xi32, #tpu.memory_space<vmem>>
        %dma_start3A_135 = arith.constant 0 : i32
        %dma_start3A_136 = arith.constant 0 : i32
        %dma_start3A_137 = tpu.memref_slice %arg10[%dma_start3A_135, %dma_start3A_136] : memref<10240x32xf32, #tpu.memory_space<vmem_shared>> -> memref<10240x32xf32, #tpu.memory_space<vmem_shared>>
        tpu.enqueue_indirect_dma source(%dma_start3A_131 : memref<80x32xf32, #tpu.memory_space<vmem>>) target(%dma_start3A_137 : memref<10240x32xf32, #tpu.memory_space<vmem_shared>>) offsets(%dma_start3A_134 : memref<80xi32, #tpu.memory_space<vmem>>) semaphore(%run_scoped3A_127 : memref<!tpu.dma_semaphore, #tpu.memory_space<semaphore_mem>>) {add = true}
        %dma_wait3A_138 = arith.constant 0 : i32
        %dma_wait3A_139 = arith.constant 0 : i32
        %dma_wait3A_140 = tpu.memref_slice %arg9[%run_scoped3A_82, %dma_wait3A_138, %dma_wait3A_139] : memref<2x80x32xf32, #tpu.memory_space<vmem>> -> memref<1x80x32xf32, #tpu.memory_space<vmem>>
        %dma_wait3A_141 = tpu.memref_squeeze %dma_wait3A_140 : memref<1x80x32xf32, #tpu.memory_space<vmem>> -> memref<80x32xf32, #tpu.memory_space<vmem>>
        %dma_wait3A_142 = arith.constant 0 : i32
        %dma_wait3A_143 = tpu.memref_slice %arg8[%mul3A_66, %dma_wait3A_142] : memref<126x80xi32, #tpu.memory_space<vmem>> -> memref<1x80xi32, #tpu.memory_space<vmem>>
        %dma_wait3A_144 = tpu.memref_squeeze %dma_wait3A_143 : memref<1x80xi32, #tpu.memory_space<vmem>> -> memref<80xi32, #tpu.memory_space<vmem>>
        %dma_wait3A_145 = arith.constant 0 : i32
        %dma_wait3A_146 = arith.constant 0 : i32
        %dma_wait3A_147 = tpu.memref_slice %arg10[%dma_wait3A_145, %dma_wait3A_146] : memref<10240x32xf32, #tpu.memory_space<vmem_shared>> -> memref<10240x32xf32, #tpu.memory_space<vmem_shared>>
        tpu.wait_indirect_dma semaphore(%run_scoped3A_127 : memref<!tpu.dma_semaphore, #tpu.memory_space<semaphore_mem>>) src(%dma_wait3A_141 : memref<80x32xf32, #tpu.memory_space<vmem>>) dst(%dma_wait3A_147 : memref<10240x32xf32, #tpu.memory_space<vmem_shared>>)
        tpu.yield
      }) : () -> ()
      %add3A_83 = arith.constant 2 : i32
      %add3A_84 = arith.addi %mul3A_66, %add3A_83 : i32
      %dma_start3A_85 = arith.constant 0 : i32
      %dma_start3A_86 = arith.constant 0 : i32
      %dma_start3A_87 = arith.constant 0 : i32
      %dma_start3A_88 = tpu.memref_slice %arg9[%dma_start3A_85, %dma_start3A_86, %dma_start3A_87] : memref<2x80x32xf32, #tpu.memory_space<vmem>> -> memref<1x80x32xf32, #tpu.memory_space<vmem>>
      %dma_start3A_89 = tpu.memref_squeeze %dma_start3A_88 : memref<1x80x32xf32, #tpu.memory_space<vmem>> -> memref<80x32xf32, #tpu.memory_space<vmem>>
      %dma_start3A_90 = arith.constant 0 : i32
      %dma_start3A_91 = tpu.memref_slice %arg7[%add3A_84, %dma_start3A_90] : memref<126x80xi32, #tpu.memory_space<vmem>> -> memref<1x80xi32, #tpu.memory_space<vmem>>
      %dma_start3A_92 = tpu.memref_squeeze %dma_start3A_91 : memref<1x80xi32, #tpu.memory_space<vmem>> -> memref<80xi32, #tpu.memory_space<vmem>>
      %dma_start3A_93 = arith.constant 0 : i32
      %dma_start3A_94 = arith.constant 0 : i32
      %dma_start3A_95 = tpu.memref_slice %arg4[%dma_start3A_93, %dma_start3A_94] : memref<10000x32xf32, #tpu.memory_space<hbm>> -> memref<10000x32xf32, #tpu.memory_space<hbm>>
      tpu.enqueue_indirect_dma source(%dma_start3A_95 : memref<10000x32xf32, #tpu.memory_space<hbm>>) target(%dma_start3A_89 : memref<80x32xf32, #tpu.memory_space<vmem>>) offsets(%dma_start3A_92 : memref<80xi32, #tpu.memory_space<vmem>>) semaphore(%arg11 : memref<!tpu.dma_semaphore, #tpu.memory_space<semaphore_mem>>)
      %dma_wait3A_96 = arith.constant 1 : i32
      %dma_wait3A_97 = arith.constant 0 : i32
      %dma_wait3A_98 = arith.constant 0 : i32
      %dma_wait3A_99 = tpu.memref_slice %arg9[%dma_wait3A_96, %dma_wait3A_97, %dma_wait3A_98] : memref<2x80x32xf32, #tpu.memory_space<vmem>> -> memref<1x80x32xf32, #tpu.memory_space<vmem>>
      %dma_wait3A_100 = tpu.memref_squeeze %dma_wait3A_99 : memref<1x80x32xf32, #tpu.memory_space<vmem>> -> memref<80x32xf32, #tpu.memory_space<vmem>>
      %dma_wait3A_101 = arith.constant 0 : i32
      %dma_wait3A_102 = arith.constant 0 : i32
      %dma_wait3A_103 = tpu.memref_slice %arg4[%dma_wait3A_101, %dma_wait3A_102] : memref<10000x32xf32, #tpu.memory_space<hbm>> -> memref<80x32xf32, #tpu.memory_space<hbm>>
      %dma_wait3A_104 = arith.constant 0 : i32
      %dma_wait3A_105 = arith.constant 0 : i32
      %dma_wait3A_106 = tpu.memref_slice %arg9[%dma_wait3A_96, %dma_wait3A_104, %dma_wait3A_105] : memref<2x80x32xf32, #tpu.memory_space<vmem>> -> memref<1x80x32xf32, #tpu.memory_space<vmem>>
      %dma_wait3A_107 = tpu.memref_squeeze %dma_wait3A_106 : memref<1x80x32xf32, #tpu.memory_space<vmem>> -> memref<80x32xf32, #tpu.memory_space<vmem>>
      %dma_wait3A_108 = arith.constant 0 : i32
      %dma_wait3A_109 = arith.constant 0 : i32
      %dma_wait3A_110 = tpu.memref_slice %arg4[%dma_wait3A_108, %dma_wait3A_109] : memref<10000x32xf32, #tpu.memory_space<hbm>> -> memref<80x32xf32, #tpu.memory_space<hbm>>
      tpu.wait_dma2 semaphore(%arg12 : memref<!tpu.dma_semaphore, #tpu.memory_space<semaphore_mem>>) src(%dma_wait3A_110 : memref<80x32xf32, #tpu.memory_space<hbm>>) dst(%dma_wait3A_107 : memref<80x32xf32, #tpu.memory_space<vmem>>)
      %add3A_111 = arith.constant 1 : i32
      %add3A_112 = arith.addi %mul3A_66, %add3A_111 : i32
      %run_scoped3A_113 = arith.constant 1 : i32
      "tpu.region"() ({
        %run_scoped3A_127 = tpu.sem_alloc : memref<!tpu.dma_semaphore, #tpu.memory_space<semaphore_mem>>
        %dma_start3A_128 = arith.constant 0 : i32
        %dma_start3A_129 = arith.constant 0 : i32
        %dma_start3A_130 = tpu.memref_slice %arg9[%run_scoped3A_113, %dma_start3A_128, %dma_start3A_129] : memref<2x80x32xf32, #tpu.memory_space<vmem>> -> memref<1x80x32xf32, #tpu.memory_space<vmem>>
        %dma_start3A_131 = tpu.memref_squeeze %dma_start3A_130 : memref<1x80x32xf32, #tpu.memory_space<vmem>> -> memref<80x32xf32, #tpu.memory_space<vmem>>
        %dma_start3A_132 = arith.constant 0 : i32
        %dma_start3A_133 = tpu.memref_slice %arg8[%add3A_112, %dma_start3A_132] : memref<126x80xi32, #tpu.memory_space<vmem>> -> memref<1x80xi32, #tpu.memory_space<vmem>>
        %dma_start3A_134 = tpu.memref_squeeze %dma_start3A_133 : memref<1x80xi32, #tpu.memory_space<vmem>> -> memref<80xi32, #tpu.memory_space<vmem>>
        %dma_start3A_135 = arith.constant 0 : i32
        %dma_start3A_136 = arith.constant 0 : i32
        %dma_start3A_137 = tpu.memref_slice %arg10[%dma_start3A_135, %dma_start3A_136] : memref<10240x32xf32, #tpu.memory_space<vmem_shared>> -> memref<10240x32xf32, #tpu.memory_space<vmem_shared>>
        tpu.enqueue_indirect_dma source(%dma_start3A_131 : memref<80x32xf32, #tpu.memory_space<vmem>>) target(%dma_start3A_137 : memref<10240x32xf32, #tpu.memory_space<vmem_shared>>) offsets(%dma_start3A_134 : memref<80xi32, #tpu.memory_space<vmem>>) semaphore(%run_scoped3A_127 : memref<!tpu.dma_semaphore, #tpu.memory_space<semaphore_mem>>) {add = true}
        %dma_wait3A_138 = arith.constant 0 : i32
        %dma_wait3A_139 = arith.constant 0 : i32
        %dma_wait3A_140 = tpu.memref_slice %arg9[%run_scoped3A_113, %dma_wait3A_138, %dma_wait3A_139] : memref<2x80x32xf32, #tpu.memory_space<vmem>> -> memref<1x80x32xf32, #tpu.memory_space<vmem>>
        %dma_wait3A_141 = tpu.memref_squeeze %dma_wait3A_140 : memref<1x80x32xf32, #tpu.memory_space<vmem>> -> memref<80x32xf32, #tpu.memory_space<vmem>>
        %dma_wait3A_142 = arith.constant 0 : i32
        %dma_wait3A_143 = tpu.memref_slice %arg8[%add3A_112, %dma_wait3A_142] : memref<126x80xi32, #tpu.memory_space<vmem>> -> memref<1x80xi32, #tpu.memory_space<vmem>>
        %dma_wait3A_144 = tpu.memref_squeeze %dma_wait3A_143 : memref<1x80xi32, #tpu.memory_space<vmem>> -> memref<80xi32, #tpu.memory_space<vmem>>
        %dma_wait3A_145 = arith.constant 0 : i32
        %dma_wait3A_146 = arith.constant 0 : i32
        %dma_wait3A_147 = tpu.memref_slice %arg10[%dma_wait3A_145, %dma_wait3A_146] : memref<10240x32xf32, #tpu.memory_space<vmem_shared>> -> memref<10240x32xf32, #tpu.memory_space<vmem_shared>>
        tpu.wait_indirect_dma semaphore(%run_scoped3A_127 : memref<!tpu.dma_semaphore, #tpu.memory_space<semaphore_mem>>) src(%dma_wait3A_141 : memref<80x32xf32, #tpu.memory_space<vmem>>) dst(%dma_wait3A_147 : memref<10240x32xf32, #tpu.memory_space<vmem_shared>>)
        tpu.yield
      }) : () -> ()
      %add3A_114 = arith.constant 3 : i32
      %add3A_115 = arith.addi %mul3A_66, %add3A_114 : i32
      %dma_start3A_116 = arith.constant 1 : i32
      %dma_start3A_117 = arith.constant 0 : i32
      %dma_start3A_118 = arith.constant 0 : i32
      %dma_start3A_119 = tpu.memref_slice %arg9[%dma_start3A_116, %dma_start3A_117, %dma_start3A_118] : memref<2x80x32xf32, #tpu.memory_space<vmem>> -> memref<1x80x32xf32, #tpu.memory_space<vmem>>
      %dma_start3A_120 = tpu.memref_squeeze %dma_start3A_119 : memref<1x80x32xf32, #tpu.memory_space<vmem>> -> memref<80x32xf32, #tpu.memory_space<vmem>>
      %dma_start3A_121 = arith.constant 0 : i32
      %dma_start3A_122 = tpu.memref_slice %arg7[%add3A_115, %dma_start3A_121] : memref<126x80xi32, #tpu.memory_space<vmem>> -> memref<1x80xi32, #tpu.memory_space<vmem>>
      %dma_start3A_123 = tpu.memref_squeeze %dma_start3A_122 : memref<1x80xi32, #tpu.memory_space<vmem>> -> memref<80xi32, #tpu.memory_space<vmem>>
      %dma_start3A_124 = arith.constant 0 : i32
      %dma_start3A_125 = arith.constant 0 : i32
      %dma_start3A_126 = tpu.memref_slice %arg4[%dma_start3A_124, %dma_start3A_125] : memref<10000x32xf32, #tpu.memory_space<hbm>> -> memref<10000x32xf32, #tpu.memory_space<hbm>>
      tpu.enqueue_indirect_dma source(%dma_start3A_126 : memref<10000x32xf32, #tpu.memory_space<hbm>>) target(%dma_start3A_120 : memref<80x32xf32, #tpu.memory_space<vmem>>) offsets(%dma_start3A_123 : memref<80xi32, #tpu.memory_space<vmem>>) semaphore(%arg12 : memref<!tpu.dma_semaphore, #tpu.memory_space<semaphore_mem>>)
    }
    %scan3A_30 = arith.constant 62 : i32
    %dma_wait3A = arith.constant 0 : i32
    %dma_wait3A_31 = arith.constant 0 : i32
    %dma_wait3A_32 = arith.constant 0 : i32
    %dma_wait3A_33 = tpu.memref_slice %arg9[%dma_wait3A, %dma_wait3A_31, %dma_wait3A_32] : memref<2x80x32xf32, #tpu.memory_space<vmem>> -> memref<1x80x32xf32, #tpu.memory_space<vmem>>
    %dma_wait3A_34 = tpu.memref_squeeze %dma_wait3A_33 : memref<1x80x32xf32, #tpu.memory_space<vmem>> -> memref<80x32xf32, #tpu.memory_space<vmem>>
    %dma_wait3A_35 = arith.constant 0 : i32
    %dma_wait3A_36 = arith.constant 0 : i32
    %dma_wait3A_37 = tpu.memref_slice %arg4[%dma_wait3A_35, %dma_wait3A_36] : memref<10000x32xf32, #tpu.memory_space<hbm>> -> memref<80x32xf32, #tpu.memory_space<hbm>>
    %dma_wait3A_38 = arith.constant 0 : i32
    %dma_wait3A_39 = arith.constant 0 : i32
    %dma_wait3A_40 = tpu.memref_slice %arg9[%dma_wait3A, %dma_wait3A_38, %dma_wait3A_39] : memref<2x80x32xf32, #tpu.memory_space<vmem>> -> memref<1x80x32xf32, #tpu.memory_space<vmem>>
    %dma_wait3A_41 = tpu.memref_squeeze %dma_wait3A_40 : memref<1x80x32xf32, #tpu.memory_space<vmem>> -> memref<80x32xf32, #tpu.memory_space<vmem>>
    %dma_wait3A_42 = arith.constant 0 : i32
    %dma_wait3A_43 = arith.constant 0 : i32
    %dma_wait3A_44 = tpu.memref_slice %arg4[%dma_wait3A_42, %dma_wait3A_43] : memref<10000x32xf32, #tpu.memory_space<hbm>> -> memref<80x32xf32, #tpu.memory_space<hbm>>
    tpu.wait_dma2 semaphore(%arg11 : memref<!tpu.dma_semaphore, #tpu.memory_space<semaphore_mem>>) src(%dma_wait3A_44 : memref<80x32xf32, #tpu.memory_space<hbm>>) dst(%dma_wait3A_41 : memref<80x32xf32, #tpu.memory_space<vmem>>)
    %run_scoped3A = arith.constant 0 : i32
    %run_scoped3A_45 = arith.constant 124 : i32
    "tpu.region"() ({
      %run_scoped3A_64 = tpu.sem_alloc : memref<!tpu.dma_semaphore, #tpu.memory_space<semaphore_mem>>
      %dma_start3A_65 = arith.constant 0 : i32
      %dma_start3A_66 = arith.constant 0 : i32
      %dma_start3A_67 = tpu.memref_slice %arg9[%run_scoped3A, %dma_start3A_65, %dma_start3A_66] : memref<2x80x32xf32, #tpu.memory_space<vmem>> -> memref<1x80x32xf32, #tpu.memory_space<vmem>>
      %dma_start3A_68 = tpu.memref_squeeze %dma_start3A_67 : memref<1x80x32xf32, #tpu.memory_space<vmem>> -> memref<80x32xf32, #tpu.memory_space<vmem>>
      %dma_start3A_69 = arith.constant 0 : i32
      %dma_start3A_70 = tpu.memref_slice %arg8[%run_scoped3A_45, %dma_start3A_69] : memref<126x80xi32, #tpu.memory_space<vmem>> -> memref<1x80xi32, #tpu.memory_space<vmem>>
      %dma_start3A_71 = tpu.memref_squeeze %dma_start3A_70 : memref<1x80xi32, #tpu.memory_space<vmem>> -> memref<80xi32, #tpu.memory_space<vmem>>
      %dma_start3A_72 = arith.constant 0 : i32
      %dma_start3A_73 = arith.constant 0 : i32
      %dma_start3A_74 = tpu.memref_slice %arg10[%dma_start3A_72, %dma_start3A_73] : memref<10240x32xf32, #tpu.memory_space<vmem_shared>> -> memref<10240x32xf32, #tpu.memory_space<vmem_shared>>
      tpu.enqueue_indirect_dma source(%dma_start3A_68 : memref<80x32xf32, #tpu.memory_space<vmem>>) target(%dma_start3A_74 : memref<10240x32xf32, #tpu.memory_space<vmem_shared>>) offsets(%dma_start3A_71 : memref<80xi32, #tpu.memory_space<vmem>>) semaphore(%run_scoped3A_64 : memref<!tpu.dma_semaphore, #tpu.memory_space<semaphore_mem>>) {add = true}
      %dma_wait3A_75 = arith.constant 0 : i32
      %dma_wait3A_76 = arith.constant 0 : i32
      %dma_wait3A_77 = tpu.memref_slice %arg9[%run_scoped3A, %dma_wait3A_75, %dma_wait3A_76] : memref<2x80x32xf32, #tpu.memory_space<vmem>> -> memref<1x80x32xf32, #tpu.memory_space<vmem>>
      %dma_wait3A_78 = tpu.memref_squeeze %dma_wait3A_77 : memref<1x80x32xf32, #tpu.memory_space<vmem>> -> memref<80x32xf32, #tpu.memory_space<vmem>>
      %dma_wait3A_79 = arith.constant 0 : i32
      %dma_wait3A_80 = tpu.memref_slice %arg8[%run_scoped3A_45, %dma_wait3A_79] : memref<126x80xi32, #tpu.memory_space<vmem>> -> memref<1x80xi32, #tpu.memory_space<vmem>>
      %dma_wait3A_81 = tpu.memref_squeeze %dma_wait3A_80 : memref<1x80xi32, #tpu.memory_space<vmem>> -> memref<80xi32, #tpu.memory_space<vmem>>
      %dma_wait3A_82 = arith.constant 0 : i32
      %dma_wait3A_83 = arith.constant 0 : i32
      %dma_wait3A_84 = tpu.memref_slice %arg10[%dma_wait3A_82, %dma_wait3A_83] : memref<10240x32xf32, #tpu.memory_space<vmem_shared>> -> memref<10240x32xf32, #tpu.memory_space<vmem_shared>>
      tpu.wait_indirect_dma semaphore(%run_scoped3A_64 : memref<!tpu.dma_semaphore, #tpu.memory_space<semaphore_mem>>) src(%dma_wait3A_78 : memref<80x32xf32, #tpu.memory_space<vmem>>) dst(%dma_wait3A_84 : memref<10240x32xf32, #tpu.memory_space<vmem_shared>>)
      tpu.yield
    }) : () -> ()
    %dma_wait3A_46 = arith.constant 1 : i32
    %dma_wait3A_47 = arith.constant 0 : i32
    %dma_wait3A_48 = arith.constant 0 : i32
    %dma_wait3A_49 = tpu.memref_slice %arg9[%dma_wait3A_46, %dma_wait3A_47, %dma_wait3A_48] : memref<2x80x32xf32, #tpu.memory_space<vmem>> -> memref<1x80x32xf32, #tpu.memory_space<vmem>>
    %dma_wait3A_50 = tpu.memref_squeeze %dma_wait3A_49 : memref<1x80x32xf32, #tpu.memory_space<vmem>> -> memref<80x32xf32, #tpu.memory_space<vmem>>
    %dma_wait3A_51 = arith.constant 0 : i32
    %dma_wait3A_52 = arith.constant 0 : i32
    %dma_wait3A_53 = tpu.memref_slice %arg4[%dma_wait3A_51, %dma_wait3A_52] : memref<10000x32xf32, #tpu.memory_space<hbm>> -> memref<80x32xf32, #tpu.memory_space<hbm>>
    %dma_wait3A_54 = arith.constant 0 : i32
    %dma_wait3A_55 = arith.constant 0 : i32
    %dma_wait3A_56 = tpu.memref_slice %arg9[%dma_wait3A_46, %dma_wait3A_54, %dma_wait3A_55] : memref<2x80x32xf32, #tpu.memory_space<vmem>> -> memref<1x80x32xf32, #tpu.memory_space<vmem>>
    %dma_wait3A_57 = tpu.memref_squeeze %dma_wait3A_56 : memref<1x80x32xf32, #tpu.memory_space<vmem>> -> memref<80x32xf32, #tpu.memory_space<vmem>>
    %dma_wait3A_58 = arith.constant 0 : i32
    %dma_wait3A_59 = arith.constant 0 : i32
    %dma_wait3A_60 = tpu.memref_slice %arg4[%dma_wait3A_58, %dma_wait3A_59] : memref<10000x32xf32, #tpu.memory_space<hbm>> -> memref<80x32xf32, #tpu.memory_space<hbm>>
    tpu.wait_dma2 semaphore(%arg12 : memref<!tpu.dma_semaphore, #tpu.memory_space<semaphore_mem>>) src(%dma_wait3A_60 : memref<80x32xf32, #tpu.memory_space<hbm>>) dst(%dma_wait3A_57 : memref<80x32xf32, #tpu.memory_space<vmem>>)
    %run_scoped3A_61 = arith.constant 1 : i32
    %run_scoped3A_62 = arith.constant 125 : i32
    "tpu.region"() ({
      %run_scoped3A_64 = tpu.sem_alloc : memref<!tpu.dma_semaphore, #tpu.memory_space<semaphore_mem>>
      %dma_start3A_65 = arith.constant 0 : i32
      %dma_start3A_66 = arith.constant 0 : i32
      %dma_start3A_67 = tpu.memref_slice %arg9[%run_scoped3A_61, %dma_start3A_65, %dma_start3A_66] : memref<2x80x32xf32, #tpu.memory_space<vmem>> -> memref<1x80x32xf32, #tpu.memory_space<vmem>>
      %dma_start3A_68 = tpu.memref_squeeze %dma_start3A_67 : memref<1x80x32xf32, #tpu.memory_space<vmem>> -> memref<80x32xf32, #tpu.memory_space<vmem>>
      %dma_start3A_69 = arith.constant 0 : i32
      %dma_start3A_70 = tpu.memref_slice %arg8[%run_scoped3A_62, %dma_start3A_69] : memref<126x80xi32, #tpu.memory_space<vmem>> -> memref<1x80xi32, #tpu.memory_space<vmem>>
      %dma_start3A_71 = tpu.memref_squeeze %dma_start3A_70 : memref<1x80xi32, #tpu.memory_space<vmem>> -> memref<80xi32, #tpu.memory_space<vmem>>
      %dma_start3A_72 = arith.constant 0 : i32
      %dma_start3A_73 = arith.constant 0 : i32
      %dma_start3A_74 = tpu.memref_slice %arg10[%dma_start3A_72, %dma_start3A_73] : memref<10240x32xf32, #tpu.memory_space<vmem_shared>> -> memref<10240x32xf32, #tpu.memory_space<vmem_shared>>
      tpu.enqueue_indirect_dma source(%dma_start3A_68 : memref<80x32xf32, #tpu.memory_space<vmem>>) target(%dma_start3A_74 : memref<10240x32xf32, #tpu.memory_space<vmem_shared>>) offsets(%dma_start3A_71 : memref<80xi32, #tpu.memory_space<vmem>>) semaphore(%run_scoped3A_64 : memref<!tpu.dma_semaphore, #tpu.memory_space<semaphore_mem>>) {add = true}
      %dma_wait3A_75 = arith.constant 0 : i32
      %dma_wait3A_76 = arith.constant 0 : i32
      %dma_wait3A_77 = tpu.memref_slice %arg9[%run_scoped3A_61, %dma_wait3A_75, %dma_wait3A_76] : memref<2x80x32xf32, #tpu.memory_space<vmem>> -> memref<1x80x32xf32, #tpu.memory_space<vmem>>
      %dma_wait3A_78 = tpu.memref_squeeze %dma_wait3A_77 : memref<1x80x32xf32, #tpu.memory_space<vmem>> -> memref<80x32xf32, #tpu.memory_space<vmem>>
      %dma_wait3A_79 = arith.constant 0 : i32
      %dma_wait3A_80 = tpu.memref_slice %arg8[%run_scoped3A_62, %dma_wait3A_79] : memref<126x80xi32, #tpu.memory_space<vmem>> -> memref<1x80xi32, #tpu.memory_space<vmem>>
      %dma_wait3A_81 = tpu.memref_squeeze %dma_wait3A_80 : memref<1x80xi32, #tpu.memory_space<vmem>> -> memref<80xi32, #tpu.memory_space<vmem>>
      %dma_wait3A_82 = arith.constant 0 : i32
      %dma_wait3A_83 = arith.constant 0 : i32
      %dma_wait3A_84 = tpu.memref_slice %arg10[%dma_wait3A_82, %dma_wait3A_83] : memref<10240x32xf32, #tpu.memory_space<vmem_shared>> -> memref<10240x32xf32, #tpu.memory_space<vmem_shared>>
      tpu.wait_indirect_dma semaphore(%run_scoped3A_64 : memref<!tpu.dma_semaphore, #tpu.memory_space<semaphore_mem>>) src(%dma_wait3A_78 : memref<80x32xf32, #tpu.memory_space<vmem>>) dst(%dma_wait3A_84 : memref<10240x32xf32, #tpu.memory_space<vmem_shared>>)
      tpu.yield
    }) : () -> ()
    %barrier3A_63 = arith.constant 0 : index
    tpu.barrier barrier_id(%barrier3A_63)
    "tpu.region"() ({
      %run_scoped3A_64 = tpu.sem_alloc : memref<!tpu.dma_semaphore, #tpu.memory_space<semaphore_mem>>
      %dma_start3A_65 = arith.constant 0 : i32
      %dma_start3A_66 = tpu.memref_slice %arg6[%arg0, %mul3A_2, %dma_start3A_65] : memref<2x10240x32xf32, #tpu.memory_space<hbm>> -> memref<1x640x32xf32, #tpu.memory_space<hbm>>
      %dma_start3A_67 = tpu.memref_squeeze %dma_start3A_66 : memref<1x640x32xf32, #tpu.memory_space<hbm>> -> memref<640x32xf32, #tpu.memory_space<hbm>>
      %dma_start3A_68 = arith.constant 0 : i32
      %dma_start3A_69 = tpu.memref_slice %arg10[%mul3A_2, %dma_start3A_68] : memref<10240x32xf32, #tpu.memory_space<vmem_shared>> -> memref<640x32xf32, #tpu.memory_space<vmem_shared>>
      tpu.enqueue_dma source(%dma_start3A_69 : memref<640x32xf32, #tpu.memory_space<vmem_shared>>) target(%dma_start3A_67 : memref<640x32xf32, #tpu.memory_space<hbm>>) target_semaphore(%run_scoped3A_64 : memref<!tpu.dma_semaphore, #tpu.memory_space<semaphore_mem>>)
      %dma_wait3A_70 = arith.constant 0 : i32
      %dma_wait3A_71 = tpu.memref_slice %arg6[%arg0, %mul3A_2, %dma_wait3A_70] : memref<2x10240x32xf32, #tpu.memory_space<hbm>> -> memref<1x640x32xf32, #tpu.memory_space<hbm>>
      %dma_wait3A_72 = tpu.memref_squeeze %dma_wait3A_71 : memref<1x640x32xf32, #tpu.memory_space<hbm>> -> memref<640x32xf32, #tpu.memory_space<hbm>>
      %dma_wait3A_73 = arith.constant 0 : i32
      %dma_wait3A_74 = tpu.memref_slice %arg10[%mul3A_2, %dma_wait3A_73] : memref<10240x32xf32, #tpu.memory_space<vmem_shared>> -> memref<640x32xf32, #tpu.memory_space<vmem_shared>>
      tpu.wait_dma2 semaphore(%run_scoped3A_64 : memref<!tpu.dma_semaphore, #tpu.memory_space<semaphore_mem>>) src(%dma_wait3A_74 : memref<640x32xf32, #tpu.memory_space<vmem_shared>>) dst(%dma_wait3A_72 : memref<640x32xf32, #tpu.memory_space<hbm>>)
      tpu.yield
    }) : () -> ()
    return
  }
}

#map = affine_map<(d0, d1) -> (0, 0, 0)>
#map1 = affine_map<(d0, d1) -> (0, 0)>
module attributes {stable_mosaic.version = 14 : i64} {
  func.func @_deg_body(%arg0: i32, %arg1: i32, %arg2: memref<32x126x80xi32, #tpu.memory_space<hbm>>, %arg3: memref<80x16xf32, #tpu.memory_space<hbm>>, %arg4: memref<10240x16xf32, #tpu.memory_space<hbm>>, %arg5: memref<2x10240x16xf32, #tpu.memory_space<hbm>>, %arg6: memref<126x80xi32, #tpu.memory_space<vmem>>, %arg7: memref<80x16xf32, #tpu.memory_space<vmem>>, %arg8: memref<10240x16xf32, #tpu.memory_space<vmem_shared>>) attributes {dimension_semantics = [#tpu.dimension_semantics<core_parallel>, #tpu.dimension_semantics<subcore_parallel>], iteration_bounds = array<i64: 2, 16>, scalar_prefetch = 0 : i64, scratch_operands = 3 : i64, tpu.core_type = #tpu.core_type<sc_vector_subcore>, window_params = [{transform_indices = #map}, {transform_indices = #map1}, {transform_indices = #map1}, {transform_indices = #map}]} {
    %mul3A = arith.constant 2 : i32
    %mul3A_0 = arith.muli %arg1, %mul3A : i32
    %add3A = arith.addi %mul3A_0, %arg0 : i32
    %mul3A_1 = arith.constant 640 : i32
    %mul3A_2 = arith.muli %arg1, %mul3A_1 : i32
    "tpu.region"() ({
      %run_scoped3A = tpu.sem_alloc : memref<!tpu.dma_semaphore, #tpu.memory_space<semaphore_mem>>
      %dma_start3A = arith.constant 0 : i32
      %dma_start3A_9 = tpu.memref_slice %arg8[%mul3A_2, %dma_start3A] : memref<10240x16xf32, #tpu.memory_space<vmem_shared>> -> memref<640x16xf32, #tpu.memory_space<vmem_shared>>
      %dma_start3A_10 = arith.constant 0 : i32
      %dma_start3A_11 = tpu.memref_slice %arg4[%mul3A_2, %dma_start3A_10] : memref<10240x16xf32, #tpu.memory_space<hbm>> -> memref<640x16xf32, #tpu.memory_space<hbm>>
      tpu.enqueue_dma source(%dma_start3A_11 : memref<640x16xf32, #tpu.memory_space<hbm>>) target(%dma_start3A_9 : memref<640x16xf32, #tpu.memory_space<vmem_shared>>) target_semaphore(%run_scoped3A : memref<!tpu.dma_semaphore, #tpu.memory_space<semaphore_mem>>)
      %dma_wait3A = arith.constant 0 : i32
      %dma_wait3A_12 = tpu.memref_slice %arg8[%mul3A_2, %dma_wait3A] : memref<10240x16xf32, #tpu.memory_space<vmem_shared>> -> memref<640x16xf32, #tpu.memory_space<vmem_shared>>
      %dma_wait3A_13 = arith.constant 0 : i32
      %dma_wait3A_14 = tpu.memref_slice %arg4[%mul3A_2, %dma_wait3A_13] : memref<10240x16xf32, #tpu.memory_space<hbm>> -> memref<640x16xf32, #tpu.memory_space<hbm>>
      tpu.wait_dma2 semaphore(%run_scoped3A : memref<!tpu.dma_semaphore, #tpu.memory_space<semaphore_mem>>) src(%dma_wait3A_14 : memref<640x16xf32, #tpu.memory_space<hbm>>) dst(%dma_wait3A_12 : memref<640x16xf32, #tpu.memory_space<vmem_shared>>)
      tpu.yield
    }) : () -> ()
    "tpu.region"() ({
      %run_scoped3A = tpu.sem_alloc : memref<!tpu.dma_semaphore, #tpu.memory_space<semaphore_mem>>
      tpu.enqueue_dma source(%arg3 : memref<80x16xf32, #tpu.memory_space<hbm>>) target(%arg7 : memref<80x16xf32, #tpu.memory_space<vmem>>) target_semaphore(%run_scoped3A : memref<!tpu.dma_semaphore, #tpu.memory_space<semaphore_mem>>)
      tpu.wait_dma2 semaphore(%run_scoped3A : memref<!tpu.dma_semaphore, #tpu.memory_space<semaphore_mem>>) src(%arg3 : memref<80x16xf32, #tpu.memory_space<hbm>>) dst(%arg7 : memref<80x16xf32, #tpu.memory_space<vmem>>)
      tpu.yield
    }) : () -> ()
    "tpu.region"() ({
      %run_scoped3A = tpu.sem_alloc : memref<!tpu.dma_semaphore, #tpu.memory_space<semaphore_mem>>
      %dma_start3A = arith.constant 0 : i32
      %dma_start3A_9 = arith.constant 0 : i32
      %dma_start3A_10 = tpu.memref_slice %arg2[%add3A, %dma_start3A, %dma_start3A_9] : memref<32x126x80xi32, #tpu.memory_space<hbm>> -> memref<1x126x80xi32, #tpu.memory_space<hbm>>
      %dma_start3A_11 = tpu.memref_squeeze %dma_start3A_10 : memref<1x126x80xi32, #tpu.memory_space<hbm>> -> memref<126x80xi32, #tpu.memory_space<hbm>>
      %dma_start3A_12 = arith.constant 0 : i32
      %dma_start3A_13 = arith.constant 0 : i32
      %dma_start3A_14 = tpu.memref_slice %arg2[%add3A, %dma_start3A_12, %dma_start3A_13] : memref<32x126x80xi32, #tpu.memory_space<hbm>> -> memref<1x126x80xi32, #tpu.memory_space<hbm>>
      %dma_start3A_15 = tpu.memref_squeeze %dma_start3A_14 : memref<1x126x80xi32, #tpu.memory_space<hbm>> -> memref<126x80xi32, #tpu.memory_space<hbm>>
      tpu.enqueue_dma source(%dma_start3A_15 : memref<126x80xi32, #tpu.memory_space<hbm>>) target(%arg6 : memref<126x80xi32, #tpu.memory_space<vmem>>) target_semaphore(%run_scoped3A : memref<!tpu.dma_semaphore, #tpu.memory_space<semaphore_mem>>)
      %dma_wait3A = arith.constant 0 : i32
      %dma_wait3A_16 = arith.constant 0 : i32
      %dma_wait3A_17 = tpu.memref_slice %arg2[%add3A, %dma_wait3A, %dma_wait3A_16] : memref<32x126x80xi32, #tpu.memory_space<hbm>> -> memref<1x126x80xi32, #tpu.memory_space<hbm>>
      %dma_wait3A_18 = tpu.memref_squeeze %dma_wait3A_17 : memref<1x126x80xi32, #tpu.memory_space<hbm>> -> memref<126x80xi32, #tpu.memory_space<hbm>>
      %dma_wait3A_19 = arith.constant 0 : i32
      %dma_wait3A_20 = arith.constant 0 : i32
      %dma_wait3A_21 = tpu.memref_slice %arg2[%add3A, %dma_wait3A_19, %dma_wait3A_20] : memref<32x126x80xi32, #tpu.memory_space<hbm>> -> memref<1x126x80xi32, #tpu.memory_space<hbm>>
      %dma_wait3A_22 = tpu.memref_squeeze %dma_wait3A_21 : memref<1x126x80xi32, #tpu.memory_space<hbm>> -> memref<126x80xi32, #tpu.memory_space<hbm>>
      tpu.wait_dma2 semaphore(%run_scoped3A : memref<!tpu.dma_semaphore, #tpu.memory_space<semaphore_mem>>) src(%dma_wait3A_22 : memref<126x80xi32, #tpu.memory_space<hbm>>) dst(%arg6 : memref<126x80xi32, #tpu.memory_space<vmem>>)
      tpu.yield
    }) : () -> ()
    %barrier3A = arith.constant 0 : index
    tpu.barrier barrier_id(%barrier3A)
    %scan3A = arith.constant 0 : i32
    %scan3A_3 = arith.constant 0 : i32
    %scan3A_4 = arith.constant 126 : i32
    %scan3A_5 = arith.addi %scan3A_3, %scan3A_4 : i32
    %scan3A_6 = arith.constant 1 : i32
    scf.for %scan3A_9 = %scan3A_3 to %scan3A_5 step %scan3A_6  : i32 {
      "tpu.region"() ({
        %run_scoped3A = tpu.sem_alloc : memref<!tpu.dma_semaphore, #tpu.memory_space<semaphore_mem>>
        %dma_start3A = arith.constant 0 : i32
        %dma_start3A_10 = tpu.memref_slice %arg6[%scan3A_9, %dma_start3A] : memref<126x80xi32, #tpu.memory_space<vmem>> -> memref<1x80xi32, #tpu.memory_space<vmem>>
        %dma_start3A_11 = tpu.memref_squeeze %dma_start3A_10 : memref<1x80xi32, #tpu.memory_space<vmem>> -> memref<80xi32, #tpu.memory_space<vmem>>
        %dma_start3A_12 = arith.constant 0 : i32
        %dma_start3A_13 = arith.constant 0 : i32
        %dma_start3A_14 = tpu.memref_slice %arg8[%dma_start3A_12, %dma_start3A_13] : memref<10240x16xf32, #tpu.memory_space<vmem_shared>> -> memref<10240x16xf32, #tpu.memory_space<vmem_shared>>
        tpu.enqueue_indirect_dma source(%arg7 : memref<80x16xf32, #tpu.memory_space<vmem>>) target(%dma_start3A_14 : memref<10240x16xf32, #tpu.memory_space<vmem_shared>>) offsets(%dma_start3A_11 : memref<80xi32, #tpu.memory_space<vmem>>) semaphore(%run_scoped3A : memref<!tpu.dma_semaphore, #tpu.memory_space<semaphore_mem>>) {add = true}
        %dma_wait3A = arith.constant 0 : i32
        %dma_wait3A_15 = tpu.memref_slice %arg6[%scan3A_9, %dma_wait3A] : memref<126x80xi32, #tpu.memory_space<vmem>> -> memref<1x80xi32, #tpu.memory_space<vmem>>
        %dma_wait3A_16 = tpu.memref_squeeze %dma_wait3A_15 : memref<1x80xi32, #tpu.memory_space<vmem>> -> memref<80xi32, #tpu.memory_space<vmem>>
        %dma_wait3A_17 = arith.constant 0 : i32
        %dma_wait3A_18 = arith.constant 0 : i32
        %dma_wait3A_19 = tpu.memref_slice %arg8[%dma_wait3A_17, %dma_wait3A_18] : memref<10240x16xf32, #tpu.memory_space<vmem_shared>> -> memref<10240x16xf32, #tpu.memory_space<vmem_shared>>
        tpu.wait_indirect_dma semaphore(%run_scoped3A : memref<!tpu.dma_semaphore, #tpu.memory_space<semaphore_mem>>) src(%arg7 : memref<80x16xf32, #tpu.memory_space<vmem>>) dst(%dma_wait3A_19 : memref<10240x16xf32, #tpu.memory_space<vmem_shared>>)
        tpu.yield
      }) : () -> ()
    }
    %scan3A_7 = arith.constant 126 : i32
    %barrier3A_8 = arith.constant 0 : index
    tpu.barrier barrier_id(%barrier3A_8)
    "tpu.region"() ({
      %run_scoped3A = tpu.sem_alloc : memref<!tpu.dma_semaphore, #tpu.memory_space<semaphore_mem>>
      %dma_start3A = arith.constant 0 : i32
      %dma_start3A_9 = tpu.memref_slice %arg5[%arg0, %mul3A_2, %dma_start3A] : memref<2x10240x16xf32, #tpu.memory_space<hbm>> -> memref<1x640x16xf32, #tpu.memory_space<hbm>>
      %dma_start3A_10 = tpu.memref_squeeze %dma_start3A_9 : memref<1x640x16xf32, #tpu.memory_space<hbm>> -> memref<640x16xf32, #tpu.memory_space<hbm>>
      %dma_start3A_11 = arith.constant 0 : i32
      %dma_start3A_12 = tpu.memref_slice %arg8[%mul3A_2, %dma_start3A_11] : memref<10240x16xf32, #tpu.memory_space<vmem_shared>> -> memref<640x16xf32, #tpu.memory_space<vmem_shared>>
      tpu.enqueue_dma source(%dma_start3A_12 : memref<640x16xf32, #tpu.memory_space<vmem_shared>>) target(%dma_start3A_10 : memref<640x16xf32, #tpu.memory_space<hbm>>) target_semaphore(%run_scoped3A : memref<!tpu.dma_semaphore, #tpu.memory_space<semaphore_mem>>)
      %dma_wait3A = arith.constant 0 : i32
      %dma_wait3A_13 = tpu.memref_slice %arg5[%arg0, %mul3A_2, %dma_wait3A] : memref<2x10240x16xf32, #tpu.memory_space<hbm>> -> memref<1x640x16xf32, #tpu.memory_space<hbm>>
      %dma_wait3A_14 = tpu.memref_squeeze %dma_wait3A_13 : memref<1x640x16xf32, #tpu.memory_space<hbm>> -> memref<640x16xf32, #tpu.memory_space<hbm>>
      %dma_wait3A_15 = arith.constant 0 : i32
      %dma_wait3A_16 = tpu.memref_slice %arg8[%mul3A_2, %dma_wait3A_15] : memref<10240x16xf32, #tpu.memory_space<vmem_shared>> -> memref<640x16xf32, #tpu.memory_space<vmem_shared>>
      tpu.wait_dma2 semaphore(%run_scoped3A : memref<!tpu.dma_semaphore, #tpu.memory_space<semaphore_mem>>) src(%dma_wait3A_16 : memref<640x16xf32, #tpu.memory_space<vmem_shared>>) dst(%dma_wait3A_14 : memref<640x16xf32, #tpu.memory_space<hbm>>)
      tpu.yield
    }) : () -> ()
    return
  }
}

module attributes {stable_mosaic.version = 14 : i64} {
  func.func @_tc1_body(%arg0: i32, %arg1: memref<200x6xf32, #tpu.memory_space<vmem>>, %arg2: memref<200x20000xf32, #tpu.memory_space<vmem>>, %arg3: memref<20000x3xf32, #tpu.memory_space<vmem>>, %arg4: memref<6x64xf32, #tpu.memory_space<vmem>>, %arg5: memref<3x64xf32, #tpu.memory_space<vmem>>, %arg6: memref<1x64xf32, #tpu.memory_space<vmem>>, %arg7: memref<64x32xf32, #tpu.memory_space<vmem>>, %arg8: memref<1x32xf32, #tpu.memory_space<vmem>>, %arg9: memref<32x32xf32, #tpu.memory_space<vmem>>, %arg10: memref<200x32xf32, #tpu.memory_space<vmem>>) attributes {dimension_semantics = [#tpu.dimension_semantics<arbitrary>], iteration_bounds = array<i64: 50>, scalar_prefetch = 0 : i64, scratch_operands = 0 : i64, tpu.core_type = #tpu.core_type<tc>, window_params = [{transform_indices = @transform_0, window_bounds = array<i64: 200, 6>}, {transform_indices = @transform_1, window_bounds = array<i64: 200, 20000>}, {pipeline_mode = #tpu.pipeline_mode<synchronous>, transform_indices = @transform_2, window_bounds = array<i64: 20000, 3>}, {pipeline_mode = #tpu.pipeline_mode<synchronous>, transform_indices = @transform_3, window_bounds = array<i64: 6, 64>}, {pipeline_mode = #tpu.pipeline_mode<synchronous>, transform_indices = @transform_4, window_bounds = array<i64: 3, 64>}, {pipeline_mode = #tpu.pipeline_mode<synchronous>, transform_indices = @transform_5, window_bounds = array<i64: 1, 64>}, {pipeline_mode = #tpu.pipeline_mode<synchronous>, transform_indices = @transform_6, window_bounds = array<i64: 64, 32>}, {pipeline_mode = #tpu.pipeline_mode<synchronous>, transform_indices = @transform_7, window_bounds = array<i64: 1, 32>}, {pipeline_mode = #tpu.pipeline_mode<synchronous>, transform_indices = @transform_8, window_bounds = array<i64: 32, 32>}, {transform_indices = @transform_9, window_bounds = array<i64: 200, 32>}]} {
    %get3A = arith.constant 0 : index
    %get3A_0 = arith.constant 0 : index
    %get3A_1 = vector.load %arg2[%get3A, %get3A_0] : memref<200x20000xf32, #tpu.memory_space<vmem>>, vector<200x20000xf32>
    %convert_element_type3A = arith.truncf %get3A_1 : vector<200x20000xf32> to vector<200x20000xbf16>
    %get3A_2 = arith.constant 0 : index
    %get3A_3 = arith.constant 0 : index
    %get3A_4 = vector.load %arg3[%get3A_2, %get3A_3] : memref<20000x3xf32, #tpu.memory_space<vmem>>, vector<20000x3xf32>
    %convert_element_type3A_5 = arith.truncf %get3A_4 : vector<20000x3xf32> to vector<20000x3xbf16>
    %dot_general3A = arith.constant dense<0.000000e+00> : vector<200x3xf32>
    %dot_general3A_6 = tpu.matmul %convert_element_type3A, %convert_element_type3A_5, %dot_general3A {dimension_numbers = #tpu.dot_dimension_numbers<[1], [0], [0], [1], [0, 0, 1, 1], [], []>, transpose_lhs_hint = false} : vector<200x20000xbf16>, vector<20000x3xbf16>, vector<200x3xf32> -> vector<200x3xf32>
    %get3A_7 = arith.constant 0 : index
    %get3A_8 = arith.constant 0 : index
    %get3A_9 = vector.load %arg1[%get3A_7, %get3A_8] : memref<200x6xf32, #tpu.memory_space<vmem>>, vector<200x6xf32>
    %get3A_10 = arith.constant 0 : index
    %get3A_11 = arith.constant 0 : index
    %get3A_12 = vector.load %arg4[%get3A_10, %get3A_11] : memref<6x64xf32, #tpu.memory_space<vmem>>, vector<6x64xf32>
    %dot_general3A_13 = arith.constant dense<0.000000e+00> : vector<200x64xf32>
    %dot_general3A_14 = tpu.matmul %get3A_9, %get3A_12, %dot_general3A_13 {dimension_numbers = #tpu.dot_dimension_numbers<[1], [0], [0], [1], [0, 0, 1, 1], [], []>, transpose_lhs_hint = false} : vector<200x6xf32>, vector<6x64xf32>, vector<200x64xf32> -> vector<200x64xf32>
    %get3A_15 = arith.constant 0 : index
    %get3A_16 = arith.constant 0 : index
    %get3A_17 = vector.load %arg5[%get3A_15, %get3A_16] : memref<3x64xf32, #tpu.memory_space<vmem>>, vector<3x64xf32>
    %dot_general3A_18 = arith.constant dense<0.000000e+00> : vector<200x64xf32>
    %dot_general3A_19 = tpu.matmul %dot_general3A_6, %get3A_17, %dot_general3A_18 {dimension_numbers = #tpu.dot_dimension_numbers<[1], [0], [0], [1], [0, 0, 1, 1], [], []>, transpose_lhs_hint = false} : vector<200x3xf32>, vector<3x64xf32>, vector<200x64xf32> -> vector<200x64xf32>
    %add3A = arith.addf %dot_general3A_14, %dot_general3A_19 : vector<200x64xf32>
    %get3A_20 = arith.constant 0 : index
    %get3A_21 = arith.constant 0 : index
    %get3A_22 = vector.load %arg6[%get3A_20, %get3A_21] : memref<1x64xf32, #tpu.memory_space<vmem>>, vector<1x64xf32>
    %add3A_23 = vector.broadcast %get3A_22 : vector<1x64xf32> to vector<200x64xf32>
    %add3A_24 = arith.addf %add3A, %add3A_23 : vector<200x64xf32>
    %tanh3A = math.tanh %add3A_24 : vector<200x64xf32>
    %get3A_25 = arith.constant 0 : index
    %get3A_26 = arith.constant 0 : index
    %get3A_27 = vector.load %arg7[%get3A_25, %get3A_26] : memref<64x32xf32, #tpu.memory_space<vmem>>, vector<64x32xf32>
    %dot_general3A_28 = arith.constant dense<0.000000e+00> : vector<200x32xf32>
    %dot_general3A_29 = tpu.matmul %tanh3A, %get3A_27, %dot_general3A_28 {dimension_numbers = #tpu.dot_dimension_numbers<[1], [0], [0], [1], [0, 0, 1, 1], [], []>, transpose_lhs_hint = false} : vector<200x64xf32>, vector<64x32xf32>, vector<200x32xf32> -> vector<200x32xf32>
    %get3A_30 = arith.constant 0 : index
    %get3A_31 = arith.constant 0 : index
    %get3A_32 = vector.load %arg8[%get3A_30, %get3A_31] : memref<1x32xf32, #tpu.memory_space<vmem>>, vector<1x32xf32>
    %add3A_33 = vector.broadcast %get3A_32 : vector<1x32xf32> to vector<200x32xf32>
    %add3A_34 = arith.addf %dot_general3A_29, %add3A_33 : vector<200x32xf32>
    %tanh3A_35 = math.tanh %add3A_34 : vector<200x32xf32>
    %get3A_36 = arith.constant 0 : index
    %get3A_37 = arith.constant 0 : index
    %get3A_38 = vector.load %arg9[%get3A_36, %get3A_37] : memref<32x32xf32, #tpu.memory_space<vmem>>, vector<32x32xf32>
    %dot_general3A_39 = arith.constant dense<0.000000e+00> : vector<200x32xf32>
    %dot_general3A_40 = tpu.matmul %tanh3A_35, %get3A_38, %dot_general3A_39 {dimension_numbers = #tpu.dot_dimension_numbers<[1], [0], [0], [1], [0, 0, 1, 1], [], []>, transpose_lhs_hint = false} : vector<200x32xf32>, vector<32x32xf32>, vector<200x32xf32> -> vector<200x32xf32>
    %swap3A = arith.constant 0 : index
    %swap3A_41 = arith.constant 0 : index
    %swap3A_42 = vector.load %arg10[%swap3A, %swap3A_41] : memref<200x32xf32, #tpu.memory_space<vmem>>, vector<200x32xf32>
    tpu.vector_store %arg10[%swap3A, %swap3A_41], %dot_general3A_40 {strides = array<i32>} : memref<200x32xf32, #tpu.memory_space<vmem>>, vector<200x32xf32>,
    return
  }
  func.func @transform_0(%arg0: i32) -> (i32, i32) {
    %c0_i32 = arith.constant 0 : i32
    %c0_i32_0 = arith.constant 0 : i32
    return %arg0, %c0_i32 : i32, i32
  }
  func.func @transform_1(%arg0: i32) -> (i32, i32) {
    %c0_i32 = arith.constant 0 : i32
    %c0_i32_0 = arith.constant 0 : i32
    return %arg0, %c0_i32 : i32, i32
  }
  func.func @transform_2(%arg0: i32) -> (i32, i32) {
    %c0_i32 = arith.constant 0 : i32
    %c0_i32_0 = arith.constant 0 : i32
    %c0_i32_1 = arith.constant 0 : i32
    return %c0_i32, %c0_i32_0 : i32, i32
  }
  func.func @transform_3(%arg0: i32) -> (i32, i32) {
    %c0_i32 = arith.constant 0 : i32
    %c0_i32_0 = arith.constant 0 : i32
    %c0_i32_1 = arith.constant 0 : i32
    return %c0_i32, %c0_i32_0 : i32, i32
  }
  func.func @transform_4(%arg0: i32) -> (i32, i32) {
    %c0_i32 = arith.constant 0 : i32
    %c0_i32_0 = arith.constant 0 : i32
    %c0_i32_1 = arith.constant 0 : i32
    return %c0_i32, %c0_i32_0 : i32, i32
  }
  func.func @transform_5(%arg0: i32) -> (i32, i32) {
    %c0_i32 = arith.constant 0 : i32
    %c0_i32_0 = arith.constant 0 : i32
    %c0_i32_1 = arith.constant 0 : i32
    return %c0_i32, %c0_i32_0 : i32, i32
  }
  func.func @transform_6(%arg0: i32) -> (i32, i32) {
    %c0_i32 = arith.constant 0 : i32
    %c0_i32_0 = arith.constant 0 : i32
    %c0_i32_1 = arith.constant 0 : i32
    return %c0_i32, %c0_i32_0 : i32, i32
  }
  func.func @transform_7(%arg0: i32) -> (i32, i32) {
    %c0_i32 = arith.constant 0 : i32
    %c0_i32_0 = arith.constant 0 : i32
    %c0_i32_1 = arith.constant 0 : i32
    return %c0_i32, %c0_i32_0 : i32, i32
  }
  func.func @transform_8(%arg0: i32) -> (i32, i32) {
    %c0_i32 = arith.constant 0 : i32
    %c0_i32_0 = arith.constant 0 : i32
    %c0_i32_1 = arith.constant 0 : i32
    return %c0_i32, %c0_i32_0 : i32, i32
  }
  func.func @transform_9(%arg0: i32) -> (i32, i32) {
    %c0_i32 = arith.constant 0 : i32
    %c0_i32_0 = arith.constant 0 : i32
    return %arg0, %c0_i32 : i32, i32
  }
}

module attributes {stable_mosaic.version = 14 : i64} {
  func.func @_prep_body(%arg0: memref<10000x16xf32, #tpu.memory_space<vmem>>, %arg1: memref<10000x16xf32, #tpu.memory_space<vmem>>, %arg2: memref<10000x32xf32, #tpu.memory_space<vmem>>, %arg3: memref<10000x32xf32, #tpu.memory_space<vmem>>, %arg4: memref<10000x1xf32, #tpu.memory_space<vmem>>) attributes {dimension_semantics = [], scalar_prefetch = 0 : i64, scratch_operands = 0 : i64, tpu.core_type = #tpu.core_type<tc>} {
    %get3A = arith.constant 0 : index
    %get3A_0 = arith.constant 0 : index
    %get3A_1 = vector.load %arg0[%get3A, %get3A_0] : memref<10000x16xf32, #tpu.memory_space<vmem>>, vector<10000x1xf32>
    %get3A_2 = arith.constant 0 : index
    %get3A_3 = arith.constant 0 : index
    %get3A_4 = vector.load %arg1[%get3A_2, %get3A_3] : memref<10000x16xf32, #tpu.memory_space<vmem>>, vector<10000x1xf32>
    %add3A = arith.addf %get3A_1, %get3A_4 : vector<10000x1xf32>
    %add3A_5 = arith.constant 1.000000e+00 : f32
    %add3A_6 = vector.broadcast %add3A_5 : f32 to vector<10000x1xf32>
    %add3A_7 = arith.addf %add3A, %add3A_6 : vector<10000x1xf32>
    %rsqrt3A = math.rsqrt %add3A_7 : vector<10000x1xf32>
    %swap3A = arith.constant 0 : index
    %swap3A_8 = arith.constant 0 : index
    %swap3A_9 = vector.load %arg4[%swap3A, %swap3A_8] : memref<10000x1xf32, #tpu.memory_space<vmem>>, vector<10000x1xf32>
    tpu.vector_store %arg4[%swap3A, %swap3A_8], %rsqrt3A {strides = array<i32>} : memref<10000x1xf32, #tpu.memory_space<vmem>>, vector<10000x1xf32>,
    %get3A_10 = arith.constant 0 : index
    %get3A_11 = arith.constant 0 : index
    %get3A_12 = vector.load %arg2[%get3A_10, %get3A_11] : memref<10000x32xf32, #tpu.memory_space<vmem>>, vector<10000x32xf32>
    %mul3A = vector.broadcast %rsqrt3A : vector<10000x1xf32> to vector<10000x32xf32>
    %mul3A_13 = arith.mulf %get3A_12, %mul3A : vector<10000x32xf32>
    %swap3A_14 = arith.constant 0 : index
    %swap3A_15 = arith.constant 0 : index
    %swap3A_16 = vector.load %arg3[%swap3A_14, %swap3A_15] : memref<10000x32xf32, #tpu.memory_space<vmem>>, vector<10000x32xf32>
    tpu.vector_store %arg3[%swap3A_14, %swap3A_15], %mul3A_13 {strides = array<i32>} : memref<10000x32xf32, #tpu.memory_space<vmem>>, vector<10000x32xf32>,
    return
  }
}

module attributes {stable_mosaic.version = 14 : i64} {
  func.func @_mid_body(%arg0: memref<10000x32xf32, #tpu.memory_space<vmem>>, %arg1: memref<10000x32xf32, #tpu.memory_space<vmem>>, %arg2: memref<10000x32xf32, #tpu.memory_space<vmem>>, %arg3: memref<10000x1xf32, #tpu.memory_space<vmem>>, %arg4: memref<1x32xf32, #tpu.memory_space<vmem>>, %arg5: memref<32x32xf32, #tpu.memory_space<vmem>>, %arg6: memref<10000x32xf32, #tpu.memory_space<vmem>>, %arg7: memref<10000x32xf32, #tpu.memory_space<vmem>>) attributes {dimension_semantics = [], scalar_prefetch = 0 : i64, scratch_operands = 0 : i64, tpu.core_type = #tpu.core_type<tc>} {
    %get3A = arith.constant 0 : index
    %get3A_0 = arith.constant 0 : index
    %get3A_1 = vector.load %arg3[%get3A, %get3A_0] : memref<10000x1xf32, #tpu.memory_space<vmem>>, vector<10000x1xf32>
    %get3A_2 = arith.constant 0 : index
    %get3A_3 = arith.constant 0 : index
    %get3A_4 = vector.load %arg0[%get3A_2, %get3A_3] : memref<10000x32xf32, #tpu.memory_space<vmem>>, vector<10000x32xf32>
    %get3A_5 = arith.constant 0 : index
    %get3A_6 = arith.constant 0 : index
    %get3A_7 = vector.load %arg1[%get3A_5, %get3A_6] : memref<10000x32xf32, #tpu.memory_space<vmem>>, vector<10000x32xf32>
    %add3A = arith.addf %get3A_4, %get3A_7 : vector<10000x32xf32>
    %mul3A = vector.broadcast %get3A_1 : vector<10000x1xf32> to vector<10000x32xf32>
    %mul3A_8 = arith.mulf %mul3A, %add3A : vector<10000x32xf32>
    %mul3A_9 = arith.mulf %get3A_1, %get3A_1 : vector<10000x1xf32>
    %get3A_10 = arith.constant 0 : index
    %get3A_11 = arith.constant 0 : index
    %get3A_12 = vector.load %arg2[%get3A_10, %get3A_11] : memref<10000x32xf32, #tpu.memory_space<vmem>>, vector<10000x32xf32>
    %mul3A_13 = vector.broadcast %mul3A_9 : vector<10000x1xf32> to vector<10000x32xf32>
    %mul3A_14 = arith.mulf %mul3A_13, %get3A_12 : vector<10000x32xf32>
    %add3A_15 = arith.addf %mul3A_8, %mul3A_14 : vector<10000x32xf32>
    %get3A_16 = arith.constant 0 : index
    %get3A_17 = arith.constant 0 : index
    %get3A_18 = vector.load %arg4[%get3A_16, %get3A_17] : memref<1x32xf32, #tpu.memory_space<vmem>>, vector<1x32xf32>
    %add3A_19 = vector.broadcast %get3A_18 : vector<1x32xf32> to vector<10000x32xf32>
    %add3A_20 = arith.addf %add3A_15, %add3A_19 : vector<10000x32xf32>
    %max3A = arith.constant 0.000000e+00 : f32
    %max3A_21 = vector.broadcast %max3A : f32 to vector<10000x32xf32>
    %max3A_22 = arith.maximumf %add3A_20, %max3A_21 : vector<10000x32xf32>
    %get3A_23 = arith.constant 0 : index
    %get3A_24 = arith.constant 0 : index
    %get3A_25 = vector.load %arg5[%get3A_23, %get3A_24] : memref<32x32xf32, #tpu.memory_space<vmem>>, vector<32x32xf32>
    %dot_general3A = arith.constant dense<0.000000e+00> : vector<10000x32xf32>
    %dot_general3A_26 = tpu.matmul %max3A_22, %get3A_25, %dot_general3A {dimension_numbers = #tpu.dot_dimension_numbers<[1], [0], [0], [1], [0, 0, 1, 1], [], []>, transpose_lhs_hint = false} : vector<10000x32xf32>, vector<32x32xf32>, vector<10000x32xf32> -> vector<10000x32xf32>
    %swap3A = arith.constant 0 : index
    %swap3A_27 = arith.constant 0 : index
    %swap3A_28 = vector.load %arg6[%swap3A, %swap3A_27] : memref<10000x32xf32, #tpu.memory_space<vmem>>, vector<10000x32xf32>
    tpu.vector_store %arg6[%swap3A, %swap3A_27], %dot_general3A_26 {strides = array<i32>} : memref<10000x32xf32, #tpu.memory_space<vmem>>, vector<10000x32xf32>,
    %mul3A_29 = vector.broadcast %get3A_1 : vector<10000x1xf32> to vector<10000x32xf32>
    %mul3A_30 = arith.mulf %dot_general3A_26, %mul3A_29 : vector<10000x32xf32>
    %swap3A_31 = arith.constant 0 : index
    %swap3A_32 = arith.constant 0 : index
    %swap3A_33 = vector.load %arg7[%swap3A_31, %swap3A_32] : memref<10000x32xf32, #tpu.memory_space<vmem>>, vector<10000x32xf32>
    tpu.vector_store %arg7[%swap3A_31, %swap3A_32], %mul3A_30 {strides = array<i32>} : memref<10000x32xf32, #tpu.memory_space<vmem>>, vector<10000x32xf32>,
    return
  }
}

module attributes {stable_mosaic.version = 14 : i64} {
  func.func @_fin_body(%arg0: memref<10000x32xf32, #tpu.memory_space<vmem>>, %arg1: memref<10000x32xf32, #tpu.memory_space<vmem>>, %arg2: memref<10000x32xf32, #tpu.memory_space<vmem>>, %arg3: memref<10000x1xf32, #tpu.memory_space<vmem>>, %arg4: memref<1x32xf32, #tpu.memory_space<vmem>>, %arg5: memref<32x32xf32, #tpu.memory_space<vmem>>, %arg6: memref<1x32xf32, #tpu.memory_space<vmem>>, %arg7: memref<32x1xf32, #tpu.memory_space<vmem>>, %arg8: memref<1x1xf32, #tpu.memory_space<vmem>>, %arg9: memref<10000x1xf32, #tpu.memory_space<vmem>>) attributes {dimension_semantics = [], scalar_prefetch = 0 : i64, scratch_operands = 0 : i64, tpu.core_type = #tpu.core_type<tc>} {
    %get3A = arith.constant 0 : index
    %get3A_0 = arith.constant 0 : index
    %get3A_1 = vector.load %arg3[%get3A, %get3A_0] : memref<10000x1xf32, #tpu.memory_space<vmem>>, vector<10000x1xf32>
    %get3A_2 = arith.constant 0 : index
    %get3A_3 = arith.constant 0 : index
    %get3A_4 = vector.load %arg0[%get3A_2, %get3A_3] : memref<10000x32xf32, #tpu.memory_space<vmem>>, vector<10000x32xf32>
    %get3A_5 = arith.constant 0 : index
    %get3A_6 = arith.constant 0 : index
    %get3A_7 = vector.load %arg1[%get3A_5, %get3A_6] : memref<10000x32xf32, #tpu.memory_space<vmem>>, vector<10000x32xf32>
    %add3A = arith.addf %get3A_4, %get3A_7 : vector<10000x32xf32>
    %mul3A = vector.broadcast %get3A_1 : vector<10000x1xf32> to vector<10000x32xf32>
    %mul3A_8 = arith.mulf %mul3A, %add3A : vector<10000x32xf32>
    %mul3A_9 = arith.mulf %get3A_1, %get3A_1 : vector<10000x1xf32>
    %get3A_10 = arith.constant 0 : index
    %get3A_11 = arith.constant 0 : index
    %get3A_12 = vector.load %arg2[%get3A_10, %get3A_11] : memref<10000x32xf32, #tpu.memory_space<vmem>>, vector<10000x32xf32>
    %mul3A_13 = vector.broadcast %mul3A_9 : vector<10000x1xf32> to vector<10000x32xf32>
    %mul3A_14 = arith.mulf %mul3A_13, %get3A_12 : vector<10000x32xf32>
    %add3A_15 = arith.addf %mul3A_8, %mul3A_14 : vector<10000x32xf32>
    %get3A_16 = arith.constant 0 : index
    %get3A_17 = arith.constant 0 : index
    %get3A_18 = vector.load %arg4[%get3A_16, %get3A_17] : memref<1x32xf32, #tpu.memory_space<vmem>>, vector<1x32xf32>
    %add3A_19 = vector.broadcast %get3A_18 : vector<1x32xf32> to vector<10000x32xf32>
    %add3A_20 = arith.addf %add3A_15, %add3A_19 : vector<10000x32xf32>
    %max3A = arith.constant 0.000000e+00 : f32
    %max3A_21 = vector.broadcast %max3A : f32 to vector<10000x32xf32>
    %max3A_22 = arith.maximumf %add3A_20, %max3A_21 : vector<10000x32xf32>
    %get3A_23 = arith.constant 0 : index
    %get3A_24 = arith.constant 0 : index
    %get3A_25 = vector.load %arg5[%get3A_23, %get3A_24] : memref<32x32xf32, #tpu.memory_space<vmem>>, vector<32x32xf32>
    %dot_general3A = arith.constant dense<0.000000e+00> : vector<10000x32xf32>
    %dot_general3A_26 = tpu.matmul %max3A_22, %get3A_25, %dot_general3A {dimension_numbers = #tpu.dot_dimension_numbers<[1], [0], [0], [1], [0, 0, 1, 1], [], []>, transpose_lhs_hint = false} : vector<10000x32xf32>, vector<32x32xf32>, vector<10000x32xf32> -> vector<10000x32xf32>
    %get3A_27 = arith.constant 0 : index
    %get3A_28 = arith.constant 0 : index
    %get3A_29 = vector.load %arg6[%get3A_27, %get3A_28] : memref<1x32xf32, #tpu.memory_space<vmem>>, vector<1x32xf32>
    %add3A_30 = vector.broadcast %get3A_29 : vector<1x32xf32> to vector<10000x32xf32>
    %add3A_31 = arith.addf %dot_general3A_26, %add3A_30 : vector<10000x32xf32>
    %tanh3A = math.tanh %add3A_31 : vector<10000x32xf32>
    %get3A_32 = arith.constant 0 : index
    %get3A_33 = arith.constant 0 : index
    %get3A_34 = vector.load %arg7[%get3A_32, %get3A_33] : memref<32x1xf32, #tpu.memory_space<vmem>>, vector<32x1xf32>
    %dot_general3A_35 = arith.constant dense<0.000000e+00> : vector<10000x1xf32>
    %dot_general3A_36 = tpu.matmul %tanh3A, %get3A_34, %dot_general3A_35 {dimension_numbers = #tpu.dot_dimension_numbers<[1], [0], [0], [1], [0, 0, 1, 1], [], []>, transpose_lhs_hint = false} : vector<10000x32xf32>, vector<32x1xf32>, vector<10000x1xf32> -> vector<10000x1xf32>
    %get3A_37 = arith.constant 0 : index
    %get3A_38 = arith.constant 0 : index
    %get3A_39 = vector.load %arg8[%get3A_37, %get3A_38] : memref<1x1xf32, #tpu.memory_space<vmem>>, vector<1x1xf32>
    %add3A_40 = vector.broadcast %get3A_39 : vector<1x1xf32> to vector<10000x1xf32>
    %add3A_41 = arith.addf %dot_general3A_36, %add3A_40 : vector<10000x1xf32>
    %tanh3A_42 = math.tanh %add3A_41 : vector<10000x1xf32>
    %swap3A = arith.constant 0 : index
    %swap3A_43 = arith.constant 0 : index
    %swap3A_44 = vector.load %arg9[%swap3A, %swap3A_43] : memref<10000x1xf32, #tpu.memory_space<vmem>>, vector<10000x1xf32>
    tpu.vector_store %arg9[%swap3A, %swap3A_43], %tanh3A_42 {strides = array<i32>} : memref<10000x1xf32, #tpu.memory_space<vmem>>, vector<10000x1xf32>,
    return
  }
}

</mosaic_0001>

<sc_bundles>
// kernel: kernel.12.cloned.1.call-start
scs
__scs_entry_jumppad:
0x0: {  	(pc) =	sbr.rel $0x88, $3  }
0x1: {  	(tag) =	ssettag $0x0;
	lr =	simm.s32 $0x1  }
0x2: {  	[smem:$0x3F91] =	sst lr;
	_ =	strace $0xD0000000  }
0x3: {  	_ = 	snop  }
0x4: {  	_ = 	snop  }
0x5: {  	_ = 	snop  }
0x6: {  	_ = 	snop  }
0x7: {  	_ = 	snop  }
__scs_overlays_trampoline_lowered:
0x8: {  	[smem:$0x3FA0] =	sst s0  }
0x9: {  	[smem:$0x3FA1] =	sst s1  }
0xa: {  	[smem:$0x3FA2] =	sst s2  }
0xb: {  	[smem:$0x3FA3] =	sst s3  }
0xc: {  	[smem:$0x3FA4] =	sst s4  }
0xd: {  	[smem:$0x3FA5] =	sst s5  }
0xe: {  	[smem:$0x3FA6] =	sst s6  }
0xf: {  	[smem:$0x3FA7] =	sst s7  }
0x10: {  	[smem:$0x3FA8] =	sst s8  }
0x11: {  	[smem:$0x3FA9] =	sst s9;
	s0 =	simm.s32 @!p0 $0x0  }
0x12: {  	s1 =	sld [smem:$0x3F8F];
	s0 =	simm.s32 @p0 $0x1  }
0x13: {  	[smem:$0x3FAA] =	sst s0;
	s0 =	simm.s32 @!p1 $0x0  }
0x14: {  	s2 =	sld [smem:$0x3F8E];
	s0 =	simm.s32 @p1 $0x1  }
0x15: {  	[smem:$0x3FAB] =	sst s0;
	s0 =	simm.s32 @!p2 $0x0  }
0x16: {  	s3 =	sld [smem:$0x3FDB];
	s0 =	simm.s32 @p2 $0x1  }
0x17: {  	s4 =	simm.s32 $0x1BF5;
	[smem:$0x3FAD] =	sst s0  }
0x18: {  	s0 =	sld [smem:$0x3F90];
	_ =	swait.ge [sflag:s4], $0x0  }
0x19: {  	s7 =	sld [smem:$0x3F91]  }
0x1a: {  	s8 =	sadd.s32 $0xFFFFE003, lr  }
0x1b: {  	s9 =	sadd.s32 $0xFFFFFEF7, lr;
	s5 =	simm.s32 $0xFFFFFFFF;
	p2 =	slt.u32 s8, $0xFFFFF086  }
0x1c: {  	p1 =	slt.u32 s9, $0xF7A;
	s5 =	simm.s32 @!p2 $0x0  }
0x1d: {  	s5 =	simm.s32 @p1 $0x1;
	p0 =	seq.s32 s7, s2  }
0x1e: {  	s7 =	smul.u32 @!p0 $0xF7A, s2;
	p2 =	seq.s32 @!p0 s5, $0x0  }
0x1f: {  	s9 =	smul.u32 $0xF7A, s1;
	s8 =	simm.s32 @!p0 $0x1BF5;
	p2 =	por !p2, p0  }
0x20: {  	[sflag:s8] =	ssyncset.s32 @!p0 $0xFFFFF086;
	s6 =	sadd.s32 @!p0 s3, s7;
	s7 =	simm.s32 @!p0 $0x108  }
0x21: {  	s3 =	sadd.s32 s3, s9;
	s6 =	sadd.s32 @!p0 $0x88, s6;
	s7 =	simm.s32 @p2 $0x1082  }
0x22: {  	[simem:s7], [sflag:s8] =	dma.local @!p0 [hbm:s6], $0xF7A  }
0x23: {  	s9 =	sor.u32 $0xD0000000, s2;
	s6 =	simm.s32 $0x108;
	_ =	swait.ge @!p0 [sflag:s8], $0x0  }
0x24: {  	s3 =	sadd.s32 $0x88, s3;
	s6 =	simm.s32 @!p1 $0x1082;
	[sflag:s4] =	ssyncset.s32 $0xFFFFF086  }
0x25: {  	[simem:s6], [sflag:s4] =	dma.local [hbm:s3], $0xF7A  }
0x26: {  	[smem:$0x3F91] =	sst s1;
	(tag) =	ssettag s2;
	_ =	strace s9  }
0x27: {  	s1 =	sld [smem:$0x3FA1]  }
0x28: {  	s2 =	sld [smem:$0x3FA2]  }
0x29: {  	s4 =	sld [smem:$0x3FA4]  }
0x2a: {  	p0 =	seq.s32 s5, $0x0;
	s5 =	sld [smem:$0x3FA5]  }
0x2b: {  	s6 =	sld [smem:$0x3FA6]  }
0x2c: {  	s7 =	sld [smem:$0x3FA7]  }
0x2d: {  	s3 =	simm.s32 $0x108;
	s8 =	sld [smem:$0x3FA8]  }
0x2e: {  	s3 =	simm.s32 @!p0 $0x1082;
	s9 =	sld [smem:$0x3FA9]  }
0x2f: {  	lr =	sadd.s32 s0, s3;
	s0 =	sld [smem:$0x3FA0]  }
0x30: {  	s3 =	sld [smem:$0x3FA3]  }
0x31: {  	[smem:$0x3FAC] =	sst s10  }
0x32: {  	s10 =	sld [smem:$0x3FAA];
	_ =	sdelay $0x3  }
0x33: {  	p0 =	seq.s32 s10, $0x1;
	s10 =	sld [smem:$0x3FAC];
	_ =	sdelay $0x3  }
0x34: {  	[smem:$0x3FAC] =	sst s10  }
0x35: {  	s10 =	sld [smem:$0x3FAB];
	_ =	sdelay $0x3  }
0x36: {  	p1 =	seq.s32 s10, $0x1;
	s10 =	sld [smem:$0x3FAC];
	_ =	sdelay $0x3  }
0x37: {  	[smem:$0x3FAC] =	sst s10  }
0x38: {  	s10 =	sld [smem:$0x3FAD]  }
0x39: {  	_ = 	snop;
	(pc) =	sbr.ind lr, $3  }
0x3a: {  	_ = 	snop  }
0x3b: {  	_ = 	snop  }
0x3c: {  	p2 =	seq.s32 s10, $0x1;
	s10 =	sld [smem:$0x3FAC]  }
0x3d: {  	_ =	shalt  }
0x3e: {  	_ =	shalt  }
0x3f: {  	_ =	shalt  }
0x40: {  	_ =	shalt  }
0x41: {  	_ =	shalt  }
0x42: {  	_ =	shalt  }
0x43: {  	_ =	shalt  }
0x44: {  	_ =	shalt  }
0x45: {  	_ =	shalt  }
0x46: {  	_ =	shalt  }
0x47: {  	_ =	shalt  }
0x48: {  	_ =	shalt  }
0x49: {  	_ =	shalt  }
0x4a: {  	_ =	shalt  }
0x4b: {  	_ =	shalt  }
0x4c: {  	_ =	shalt  }
0x4d: {  	_ =	shalt  }
0x4e: {  	_ =	shalt  }
0x4f: {  	_ =	shalt  }
0x50: {  	_ =	shalt  }
0x51: {  	_ =	shalt  }
0x52: {  	_ =	shalt  }
0x53: {  	_ =	shalt  }
0x54: {  	_ =	shalt  }
0x55: {  	_ =	shalt  }
0x56: {  	_ =	shalt  }
0x57: {  	_ =	shalt  }
0x58: {  	_ =	shalt  }
0x59: {  	_ =	shalt  }
0x5a: {  	_ =	shalt  }
0x5b: {  	_ =	shalt  }
0x5c: {  	_ =	shalt  }
0x5d: {  	_ =	shalt  }
0x5e: {  	_ =	shalt  }
0x5f: {  	_ =	shalt  }
0x60: {  	_ =	shalt  }
0x61: {  	_ =	shalt  }
0x62: {  	_ =	shalt  }
0x63: {  	_ =	shalt  }
0x64: {  	_ =	shalt  }
0x65: {  	_ =	shalt  }
0x66: {  	_ =	shalt  }
0x67: {  	_ =	shalt  }
0x68: {  	_ =	shalt  }
0x69: {  	_ =	shalt  }
0x6a: {  	_ =	shalt  }
0x6b: {  	_ =	shalt  }
0x6c: {  	_ =	shalt  }
0x6d: {  	_ =	shalt  }
0x6e: {  	_ =	shalt  }
0x6f: {  	_ =	shalt  }
0x70: {  	_ =	shalt  }
0x71: {  	_ =	shalt  }
0x72: {  	_ =	shalt  }
0x73: {  	_ =	shalt  }
0x74: {  	_ =	shalt  }
0x75: {  	_ =	shalt  }
0x76: {  	_ =	shalt  }
0x77: {  	_ =	shalt  }
0x78: {  	_ =	shalt  }
0x79: {  	_ =	shalt  }
0x7a: {  	_ =	shalt  }
0x7b: {  	_ =	shalt  }
0x7c: {  	_ =	shalt  }
0x7d: {  	_ =	shalt  }
0x7e: {  	_ =	shalt  }
0x7f: {  	_ =	shalt  }
0x80: {  	_ =	shalt  }
0x81: {  	_ =	shalt  }
0x82: {  	_ =	shalt  }
0x83: {  	_ =	shalt  }
0x84: {  	_ =	shalt  }
0x85: {  	_ =	shalt  }
0x86: {  	_ =	shalt  }
0x87: {  	_ =	shalt  }
.Lfunc_end0:
.L_simem_size_0:
called_computation.1_lowered:
.L_overlay_start_0:
0x88: {  	s2 =	sld [smem:$0x3FD9]  }
0x89: {  	s3 =	sld [smem:$0x3FFE];
	_ =	sdelay $0x1  }
0x8a: {  	s1 =	srdreg.scid  }
0x8b: {  	s0 =	sand.u32 $0x1, s1  }
0x8c: {  	s16 =	sshll.u32 s0, $0xA;
	s2 =	sadd.s32 s3, s2  }
0x8d: {  	s2 =	sadd.s32 s2, s16  }
0x8e: {  	[smem:$0x3FB8] =	sst s2  }
0x8f: {  	_ = 	snop  }
0x90: {  	(tm) =	ssettm $0x1  }
0x91: {  	s17 =	sld [smem:$0x3FFB];
	_ =	sdelay $0x3  }
0x92: {  	_ =	strace s17  }
0x93: {  	s2 =	sld [smem:$0x3FFC];
	_ =	sdelay $0x3  }
0x94: {  	_ =	strace s2  }
0x95: {  	s2 =	sld [smem:$0x3FFD];
	_ =	sdelay $0x3  }
0x96: {  	_ =	strace s2  }
0x97: {  	_ =	strace $0x8FFFFFFF  }
0x98: {  	s18 =	sld [smem:$0x3FDB];
	_ =	sdelay $0x1  }
0x99: {  	s19 =	simm.s32 $_scs_section_size  }
0x9a: {  	s4 =	simm.s32 $_size__tile_overlayer_lowered;
	s5 =	simm.s32 $_tile_overlayer_lowered  }
0x9b: {  	s22 =	simm.s32 $0x1BFF;
	s21 =	sshll.u32 s5, $0x1;
	s2 =	sadd.s32 s19, s18  }
0x9c: {  	s6 =	simm.s32 $0x0;
	s20 =	sshll.u32 s4, $0x1;
	s4 =	sadd.s32 s21, s2  }
0x9d: {  	[timem:s6], [sflag:s22] =	dma.local [hbm:s4], s20  }
0x9e: {  	_ =	swait.ge [sflag:s22], s20  }
0x9f: {  	s3 =	ssub.s32 $0x0, s20;
	[sflag:s22] =	ssyncset.done $0x0  }
0xa0: {  	[sflag:s22] =	ssyncadd.s32 s3;
	_ =	sdelay $0x1  }
0xa1: {  	s23 =	simm.s32 $0x1B8B  }
0xa2: {  	_ =	swait.ge [sflag:s23], $0x1  }
0xa3: {  	[sflag:s23] =	ssyncset.done $0x0  }
0xa4: {  	s25 =	simm.s32 $0x1B8E;
	s24 =	sld [smem:$0x3FFE];
	[sflag:s23] =	ssyncadd.s32 $0xFFFFFFFF  }
0xa5: {  	s26 =	simm.s32 $execute0_lowered;
	[smem:$0x3FD2] =	sst s25  }
0xa6: {  	s4 =	sshll.u32 s26, $0x1;
	_ =	strace $0x80000049;
	[dreg:$0x1] =	wrdreg $0xFFFFFFFF  }
0xa7: {  	s28 =	simm.s32 $_size_execute0_lowered;
	s2 =	sadd.s32 s2, s4;
	[dreg:$0x0] =	wrdreg $0x0  }
0xa8: {  	s4 =	sshll.u32 s28, $0x1;
	[dreg:$0x2] =	wrdreg s2  }
0xa9: {  	[dreg:$0x3] =	wrdreg s4  }
0xaa: {  	[dreg:$0x4] =	wrdreg $0xC0  }
0xab: {  	_ =	task [dreg:s6], $0x5FFFF  }
0xac: {  	[dreg:$0x1] =	wrdreg $0xFFFFFFFF  }
0xad: {  	[dreg:$0x0] =	wrdreg $0x60  }
0xae: {  	[dreg:$0x2] =	wrdreg s24  }
0xaf: {  	[dreg:$0x3] =	wrdreg $0x62C00  }
0xb0: {  	[dreg:$0x4] =	wrdreg $0x9  }
0xb1: {  	_ =	task.clear_ibuf [dreg:s6], $0x5FFFF;
	_ =	strace $0x90000049  }
0xb2: {  	s29 =	simm.s32 $0x9;
	_ =	strace $0x8000004B  }
0xb3: {  	_ =	swait.ge [sflag:s29], $0x1  }
0xb4: {  	[sflag:s29] =	ssyncadd.s32 $0xFFFFFFFF  }
0xb5: {  	_ =	strace $0x9000004B  }
0xb6: {  	_ =	sfence  }
0xb7: {  	s30 =	sld [smem:$0x0];
	_ =	sdelay $0x2  }
0xb8: {  	s31 =	sshll.u32 s1, $0xD;
	s1 =	sshrl.u32 s1, $0x2  }
0xb9: {  	s3 =	sand.u32 $0x4000, s31;
	s1 =	sadd.s32 s1, s30  }
0xba: {  	s0 =	sor.u32 s3, s0;
	s1 =	sshll.u32 s1, $0x11  }
0xbb: {  	s0 =	sor.u32 s1, s0  }
0xbc: {  	s0 =	sadd.s32 $0x8F2B, s0  }
0xbd: {  	[sflag:s0] =	ssyncadd.remote.s32 $0x1  }
0xbe: {  	_ =	sfence.sel $0xFFFF  }
0xbf: {  	[dreg:$0x0] =	wrdreg $0xFFFFFFFF;
	(pc) =	sbr.abs _section_cstart, $3  }
0xc0: {  	[dreg:$0x1] =	wrdreg $0xFFFFFFFF  }
0xc1: {  	_ =	task.clear_ibuf [dreg:s6], $0x2FFFF;
	_ =	strace $0x9FFFFFFF  }
0xc2: {  	(tm) =	ssettm $0x7FFFFFFF  }
0xc3: {  	_ =	shalt  }
tec
execute0_lowered:
.L_overlay_start_1:
0x0: {  	(tag) =	ssettag $0x1  }
0x1: {  	s1 =	srdreg.scid;
	s6 =	rddreg [dreg:$0x0]  }
0x2: {  	s0 =	stileid.u32;
	s2 =	rddreg [dreg:$0x1]  }
0x3: {  	s3 =	simm.s32 $0x0;
	s14 =	simm.s32 $0x50;
	s15 =	simm.s32 $0x4EC0  }
0x4: {  	s16 =	simm.s32 $0x58C0;
	s17 =	simm.s32 $0x1;
	s18 =	simm.s32 $0x2  }
0x5: {  	s19 =	simm.s32 $0x4E20;
	s20 =	simm.s32 $0x4E70;
	s21 =	simm.s32 $0x0  }
0x6: {  	s5 =	sand.u32 $0x1, s1;
	s30 =	sshll.u32 s0, $0x1;
	s7 =	smul.u32 $0x5000, s0  }
0x7: {  	[smem:$0x7FF] =	sst s3;
	s1 =	sor.u32 s5, s30;
	s8 =	smul.u32 $0x50000, s5  }
0x8: {  	s31 =	sshll.u32 s0, $0x6;
	s5 =	ssub.s32 $0x2, s5;
	s4 =	smul.u32 $0x4EC, s1  }
0x9: {  	s1 =	rddreg [dreg:$0x2];
	_ =	strace $0x8000004A;
	s10 =	sshrl.u32 s7, $0x3  }
0xa: {  	s11 =	sshrl.u32 s5, $0x1;
	s13 =	sadd.s32 s7, s2;
	s8 =	sadd.s32 s7, s8  }
0xb: {  	s10 =	sadd.s32 s10, s6;
	s11 =	ssub.s32 s5, s11;
	s9 =	sadd.s32 s4, s6  }
0xc: {  	s4 =	sadd.s32 $0xCA00, s6;
	s8 =	sshrl.u32 s8, $0x3;
	s5 =	sadd.s32 $0x73C00, s10  }
0xd: {  	s10 =	smax.u32 s11, $0x1;
	s11 =	sshrl.u32 s13, $0x3;
	s13 =	simm.s32 $0x2760  }
0xe: {  	s12 =	sadd.s32 s8, s6;
	s6 =	sor.u32 $0x1C03, s31;
	s7 =	sadd.s32 $0x1BA00, s9  }
0xf: {  	s8 =	sadd.s32 $0x2C00, s9;
	s9 =	sadd.s32 $0x7DC00, s12;
	s12 =	simm.s32 $0x3  }
.LBB2_1:
0x10: {  	[spmem:s11], [sflag:s6] =	dma.local [hbm:s5], $0xA00  }
0x11: {  	_ =	swait.ge [sflag:s12], $0xA00  }
0x12: {  	[sflag:s12] =	ssyncset.done $0x0  }
0x13: {  	[sflag:s12] =	ssyncadd.s32 $0xFFFFF600  }
0x14: {  	[tilespmem:s3], [sflag:$0x3] =	stream.linear.gather [hbm4b:s7+s3], $0x2760, $0x38;
	[tilespmem:$0xB2C0] =	vst v63  }
0x15: {  	_ =	swait.ge [sflag:s12], $0x2760  }
0x16: {  	[sflag:s12] =	ssyncset.done $0x0  }
0x17: {  	[sflag:s12] =	ssyncadd.s32 $0xFFFFD8A0  }
0x18: {  	[tilespmem:s13], [sflag:$0x3] =	stream.linear.gather [hbm4b:s8+s3], $0x2760, $0x38;
	[tilespmem:$0xB2C0] =	vst v63  }
0x19: {  	_ =	swait.ge [sflag:s12], $0x2760  }
0x1a: {  	[sflag:s12] =	ssyncset.done $0x0  }
0x1b: {  	[sflag:s12] =	ssyncadd.s32 $0xFFFFD8A0  }
0x1c: {  	[bflag:$0x0] =	sbarrier.arrive $0xFFFF  }
0x1d: {  	[tilespmem:s15], [sflag:$0x1] =	stream.indirect.gather [hbm4b:s4+s14], $0x20, s3, s14, $0xb8;
	[tilespmem:$0xB2C0] =	vst v63  }
0x1e: {  	_ = 	snop  }
0x1f: {  	[tilespmem:s16], [sflag:$0x2] =	stream.indirect.gather [hbm4b:s4+s14], $0x20, s14, s14, $0xb8;
	[tilespmem:$0xB2C0] =	vst v63  }
0x20: {  	_ =	swait.ge [sflag:s17], $0xA00  }
0x21: {  	[sflag:s17] =	ssyncset.done $0x0  }
0x22: {  	s22 =	simm.s32 $0x2760;
	[sflag:s17] =	ssyncadd.s32 $0xFFFFF600  }
0x23: {  	[spmem:s2] =	stream.indirect.scatter.add.f32 [tilespmem:s15], [sflag:$0x3], $0x20, s22, s14, $0xb8;
	[tilespmem:$0xB2C0] =	vst v63  }
0x24: {  	_ =	swait.ge [sflag:s12], $0xA00  }
0x25: {  	[sflag:s12] =	ssyncset.done $0x0  }
0x26: {  	s30 =	simm.s32 $0xA0;
	[sflag:s12] =	ssyncadd.s32 $0xFFFFF600  }
0x27: {  	[tilespmem:s15], [sflag:$0x1] =	stream.indirect.gather [hbm4b:s4+s14], $0x20, s30, s14, $0xb8;
	[tilespmem:$0xB2C0] =	vst v63  }
0x28: {  	_ =	swait.ge [sflag:s18], $0xA00  }
0x29: {  	[sflag:s18] =	ssyncset.done $0x0  }
0x2a: {  	s31 =	simm.s32 $0x27B0;
	[sflag:s18] =	ssyncadd.s32 $0xFFFFF600  }
0x2b: {  	[spmem:s2] =	stream.indirect.scatter.add.f32 [tilespmem:s16], [sflag:$0x3], $0x20, s31, s14, $0xb8;
	[tilespmem:$0xB2C0] =	vst v63  }
0x2c: {  	_ =	swait.ge [sflag:s12], $0xA00  }
0x2d: {  	[sflag:s12] =	ssyncset.done $0x0  }
0x2e: {  	s23 =	simm.s32 $0xF0;
	s22 =	simm.s32 $0x280;
	[sflag:s12] =	ssyncadd.s32 $0xFFFFF600  }
.LBB2_2:
0x2f: {  	[tilespmem:s16], [sflag:$0x2] =	stream.indirect.gather [hbm4b:s4+s14], $0x20, s23, s14, $0xb8;
	[tilespmem:$0xB2C0] =	vst v63  }
0x30: {  	s23 =	smov.u32 s22  }
0x31: {  	p0 =	sne.s32 s22, $0x9880;
	s22 =	sadd.s32 $0x280, s22;
	_ =	swait.ge [sflag:s17], $0xA00  }
0x32: {  	s23 =	sshra.s32 s23, $0x2;
	[sflag:s17] =	ssyncset.done $0x0  }
0x33: {  	s24 =	sadd.s32 $0x2760, s23;
	[sflag:s17] =	ssyncadd.s32 $0xFFFFF600  }
0x34: {  	[spmem:s2] =	stream.indirect.scatter.add.f32 [tilespmem:s15], [sflag:$0x3], $0x20, s24, s14, $0xb8;
	[tilespmem:$0xB2C0] =	vst v63  }
0x35: {  	_ =	swait.ge [sflag:s12], $0xA00  }
0x36: {  	[sflag:s12] =	ssyncset.done $0x0  }
0x37: {  	s24 =	sadd.s32 $0xA0, s23;
	[sflag:s12] =	ssyncadd.s32 $0xFFFFF600  }
0x38: {  	[tilespmem:s15], [sflag:$0x1] =	stream.indirect.gather [hbm4b:s4+s14], $0x20, s24, s14, $0xb8;
	[tilespmem:$0xB2C0] =	vst v63  }
0x39: {  	_ =	swait.ge [sflag:s18], $0xA00  }
0x3a: {  	[sflag:s18] =	ssyncset.done $0x0  }
.Ltmp0:
0x3b: {  	s24 =	sadd.s32 $0x27B0, s23;
	[sflag:s18] =	ssyncadd.s32 $0xFFFFF600;
	(pc) =	sbr.rel @p0 .LBB2_2-.Ltmp0, $4  }
0x3c: {  	[spmem:s2] =	stream.indirect.scatter.add.f32 [tilespmem:s16], [sflag:$0x3], $0x20, s24, s14, $0xb8;
	[tilespmem:$0xB2C0] =	vst v63  }
0x3d: {  	_ =	swait.ge [sflag:s12], $0xA00  }
0x3e: {  	[sflag:s12] =	ssyncset.done $0x0  }
0x3f: {  	s23 =	sadd.s32 $0xF0, s23;
	[sflag:s12] =	ssyncadd.s32 $0xFFFFF600  }
0x40: {  	[tilespmem:s16], [sflag:$0x2] =	stream.indirect.gather [hbm4b:s4+s14], $0x20, s23, s14, $0xb8;
	[tilespmem:$0xB2C0] =	vst v63  }
0x41: {  	_ =	swait.ge [sflag:s17], $0xA00  }
0x42: {  	[sflag:s17] =	ssyncset.done $0x0  }
0x43: {  	[sflag:s17] =	ssyncadd.s32 $0xFFFFF600  }
0x44: {  	[spmem:s2] =	stream.indirect.scatter.add.f32 [tilespmem:s15], [sflag:$0x3], $0x20, s19, s14, $0xb8;
	[tilespmem:$0xB2C0] =	vst v63  }
0x45: {  	_ =	swait.ge [sflag:s12], $0xA00  }
0x46: {  	[sflag:s12] =	ssyncset.done $0x0  }
0x47: {  	[sflag:s12] =	ssyncadd.s32 $0xFFFFF600  }
0x48: {  	_ =	swait.ge [sflag:s18], $0xA00  }
0x49: {  	[sflag:s18] =	ssyncset.done $0x0  }
0x4a: {  	[sflag:s18] =	ssyncadd.s32 $0xFFFFF600  }
0x4b: {  	[spmem:s2] =	stream.indirect.scatter.add.f32 [tilespmem:s16], [sflag:$0x3], $0x20, s20, s14, $0xb8;
	[tilespmem:$0xB2C0] =	vst v63  }
0x4c: {  	_ =	swait.ge [sflag:s12], $0xA00  }
0x4d: {  	s21 =	sadd.s32 $0x1, s21;
	[sflag:s12] =	ssyncset.done $0x0  }
0x4e: {  	p0 =	sne.s32 s21, s10;
	[sflag:s12] =	ssyncadd.s32 $0xFFFFF600  }
.Ltmp1:
0x4f: {  	[bflag:$0x0] =	sbarrier.arrive $0xFFFF;
	(pc) =	sbr.rel @p0 .LBB2_1-.Ltmp1, $4  }
0x50: {  	[hbm:s9], [sflag:s6] =	dma.local [spmem:s11], $0xA00  }
0x51: {  	_ =	swait.ge [sflag:s12], $0xA00  }
0x52: {  	[sflag:s12] =	ssyncset.done $0x0  }
0x53: {  	[sflag:s12] =	ssyncadd.s32 $0xFFFFF600  }
0x54: {  	_ =	sfence.sel $0x180000  }
0x55: {  	[bflag:$0x0] =	sbarrier.arrive $0xFFFF  }
0x56: {  	p0 =	sne.s32 s0, $0x0;
	_ =	strace $0x9000004A  }
0x57: {  	s0 =	sadd.s32 @!p0 $0x100000, s1;
	[bflag:$0x2] =	sbarrier.arrive $0xFFFF  }
0x58: {  	[sflag:s0] =	ssyncadd.tile.s32 @!p0 $0x1;
	_ =	shalt  }
.Lfunc_end2:
_tile_overlayer_lowered:
.L_overlay_start_2:
0x59: {  	(tag) =	ssettag $0x2  }
0x5a: {  	s0 =	rddreg [dreg:$0x0];
	s2 =	stileid.u32  }
0x5b: {  	s1 =	rddreg [dreg:$0x1];
	p0 =	sne.s32 s2, $0x0  }
0x5c: {  	s3 =	rddreg [dreg:$0x2];
	[bflag:$0x3] =	sbarrier.arrive $0xFFFF;
	s2 =	simm.s32 @!p0 $0x1C03  }
0x5d: {  	[timem:s3], [sflag:s2] =	dma.local @!p0 [hbm:s0], s1  }
0x5e: {  	s0 =	simm.s32 @!p0 $0x3  }
0x5f: {  	_ =	swait.ge @!p0 [sflag:s0], s1  }
0x60: {  	s1 =	ssub.s32 @!p0 $0x0, s1;
	[sflag:s0] =	ssyncset.done @!p0 $0x0  }
0x61: {  	[sflag:s0] =	ssyncadd.s32 @!p0 s1  }
0x62: {  	[bflag:$0x3] =	sbarrier.arrive $0xFFFF  }
0x63: {  	_ =	shalt  }

// kernel: kernel.15.cloned.1.call-start
scs
__scs_entry_jumppad:
0x0: {  	(pc) =	sbr.rel $0x88, $3  }
0x1: {  	(tag) =	ssettag $0x0;
	lr =	simm.s32 $0x1  }
0x2: {  	[smem:$0x3F91] =	sst lr;
	_ =	strace $0xD0000000  }
0x3: {  	_ = 	snop  }
0x4: {  	_ = 	snop  }
0x5: {  	_ = 	snop  }
0x6: {  	_ = 	snop  }
0x7: {  	_ = 	snop  }
__scs_overlays_trampoline_lowered:
0x8: {  	[smem:$0x3FA0] =	sst s0  }
0x9: {  	[smem:$0x3FA1] =	sst s1  }
0xa: {  	[smem:$0x3FA2] =	sst s2  }
0xb: {  	[smem:$0x3FA3] =	sst s3  }
0xc: {  	[smem:$0x3FA4] =	sst s4  }
0xd: {  	[smem:$0x3FA5] =	sst s5  }
0xe: {  	[smem:$0x3FA6] =	sst s6  }
0xf: {  	[smem:$0x3FA7] =	sst s7  }
0x10: {  	[smem:$0x3FA8] =	sst s8  }
0x11: {  	[smem:$0x3FA9] =	sst s9;
	s0 =	simm.s32 @!p0 $0x0  }
0x12: {  	s1 =	sld [smem:$0x3F8F];
	s0 =	simm.s32 @p0 $0x1  }
0x13: {  	[smem:$0x3FAA] =	sst s0;
	s0 =	simm.s32 @!p1 $0x0  }
0x14: {  	s2 =	sld [smem:$0x3F8E];
	s0 =	simm.s32 @p1 $0x1  }
0x15: {  	[smem:$0x3FAB] =	sst s0;
	s0 =	simm.s32 @!p2 $0x0  }
0x16: {  	s3 =	sld [smem:$0x3FDB];
	s0 =	simm.s32 @p2 $0x1  }
0x17: {  	s4 =	simm.s32 $0x1BF5;
	[smem:$0x3FAD] =	sst s0  }
0x18: {  	s0 =	sld [smem:$0x3F90];
	_ =	swait.ge [sflag:s4], $0x0  }
0x19: {  	s7 =	sld [smem:$0x3F91]  }
0x1a: {  	s8 =	sadd.s32 $0xFFFFE003, lr  }
0x1b: {  	s9 =	sadd.s32 $0xFFFFFEF7, lr;
	s5 =	simm.s32 $0xFFFFFFFF;
	p2 =	slt.u32 s8, $0xFFFFF086  }
0x1c: {  	p1 =	slt.u32 s9, $0xF7A;
	s5 =	simm.s32 @!p2 $0x0  }
0x1d: {  	s5 =	simm.s32 @p1 $0x1;
	p0 =	seq.s32 s7, s2  }
0x1e: {  	s7 =	smul.u32 @!p0 $0xF7A, s2;
	p2 =	seq.s32 @!p0 s5, $0x0  }
0x1f: {  	s9 =	smul.u32 $0xF7A, s1;
	s8 =	simm.s32 @!p0 $0x1BF5;
	p2 =	por !p2, p0  }
0x20: {  	[sflag:s8] =	ssyncset.s32 @!p0 $0xFFFFF086;
	s6 =	sadd.s32 @!p0 s3, s7;
	s7 =	simm.s32 @!p0 $0x108  }
0x21: {  	s3 =	sadd.s32 s3, s9;
	s6 =	sadd.s32 @!p0 $0x88, s6;
	s7 =	simm.s32 @p2 $0x1082  }
0x22: {  	[simem:s7], [sflag:s8] =	dma.local @!p0 [hbm:s6], $0xF7A  }
0x23: {  	s9 =	sor.u32 $0xD0000000, s2;
	s6 =	simm.s32 $0x108;
	_ =	swait.ge @!p0 [sflag:s8], $0x0  }
0x24: {  	s3 =	sadd.s32 $0x88, s3;
	s6 =	simm.s32 @!p1 $0x1082;
	[sflag:s4] =	ssyncset.s32 $0xFFFFF086  }
0x25: {  	[simem:s6], [sflag:s4] =	dma.local [hbm:s3], $0xF7A  }
0x26: {  	[smem:$0x3F91] =	sst s1;
	(tag) =	ssettag s2;
	_ =	strace s9  }
0x27: {  	s1 =	sld [smem:$0x3FA1]  }
0x28: {  	s2 =	sld [smem:$0x3FA2]  }
0x29: {  	s4 =	sld [smem:$0x3FA4]  }
0x2a: {  	p0 =	seq.s32 s5, $0x0;
	s5 =	sld [smem:$0x3FA5]  }
0x2b: {  	s6 =	sld [smem:$0x3FA6]  }
0x2c: {  	s7 =	sld [smem:$0x3FA7]  }
0x2d: {  	s3 =	simm.s32 $0x108;
	s8 =	sld [smem:$0x3FA8]  }
0x2e: {  	s3 =	simm.s32 @!p0 $0x1082;
	s9 =	sld [smem:$0x3FA9]  }
0x2f: {  	lr =	sadd.s32 s0, s3;
	s0 =	sld [smem:$0x3FA0]  }
0x30: {  	s3 =	sld [smem:$0x3FA3]  }
0x31: {  	[smem:$0x3FAC] =	sst s10  }
0x32: {  	s10 =	sld [smem:$0x3FAA];
	_ =	sdelay $0x3  }
0x33: {  	p0 =	seq.s32 s10, $0x1;
	s10 =	sld [smem:$0x3FAC];
	_ =	sdelay $0x3  }
0x34: {  	[smem:$0x3FAC] =	sst s10  }
0x35: {  	s10 =	sld [smem:$0x3FAB];
	_ =	sdelay $0x3  }
0x36: {  	p1 =	seq.s32 s10, $0x1;
	s10 =	sld [smem:$0x3FAC];
	_ =	sdelay $0x3  }
0x37: {  	[smem:$0x3FAC] =	sst s10  }
0x38: {  	s10 =	sld [smem:$0x3FAD]  }
0x39: {  	_ = 	snop;
	(pc) =	sbr.ind lr, $3  }
0x3a: {  	_ = 	snop  }
0x3b: {  	_ = 	snop  }
0x3c: {  	p2 =	seq.s32 s10, $0x1;
	s10 =	sld [smem:$0x3FAC]  }
0x3d: {  	_ =	shalt  }
0x3e: {  	_ =	shalt  }
0x3f: {  	_ =	shalt  }
0x40: {  	_ =	shalt  }
0x41: {  	_ =	shalt  }
0x42: {  	_ =	shalt  }
0x43: {  	_ =	shalt  }
0x44: {  	_ =	shalt  }
0x45: {  	_ =	shalt  }
0x46: {  	_ =	shalt  }
0x47: {  	_ =	shalt  }
0x48: {  	_ =	shalt  }
0x49: {  	_ =	shalt  }
0x4a: {  	_ =	shalt  }
0x4b: {  	_ =	shalt  }
0x4c: {  	_ =	shalt  }
0x4d: {  	_ =	shalt  }
0x4e: {  	_ =	shalt  }
0x4f: {  	_ =	shalt  }
0x50: {  	_ =	shalt  }
0x51: {  	_ =	shalt  }
0x52: {  	_ =	shalt  }
0x53: {  	_ =	shalt  }
0x54: {  	_ =	shalt  }
0x55: {  	_ =	shalt  }
0x56: {  	_ =	shalt  }
0x57: {  	_ =	shalt  }
0x58: {  	_ =	shalt  }
0x59: {  	_ =	shalt  }
0x5a: {  	_ =	shalt  }
0x5b: {  	_ =	shalt  }
0x5c: {  	_ =	shalt  }
0x5d: {  	_ =	shalt  }
0x5e: {  	_ =	shalt  }
0x5f: {  	_ =	shalt  }
0x60: {  	_ =	shalt  }
0x61: {  	_ =	shalt  }
0x62: {  	_ =	shalt  }
0x63: {  	_ =	shalt  }
0x64: {  	_ =	shalt  }
0x65: {  	_ =	shalt  }
0x66: {  	_ =	shalt  }
0x67: {  	_ =	shalt  }
0x68: {  	_ =	shalt  }
0x69: {  	_ =	shalt  }
0x6a: {  	_ =	shalt  }
0x6b: {  	_ =	shalt  }
0x6c: {  	_ =	shalt  }
0x6d: {  	_ =	shalt  }
0x6e: {  	_ =	shalt  }
0x6f: {  	_ =	shalt  }
0x70: {  	_ =	shalt  }
0x71: {  	_ =	shalt  }
0x72: {  	_ =	shalt  }
0x73: {  	_ =	shalt  }
0x74: {  	_ =	shalt  }
0x75: {  	_ =	shalt  }
0x76: {  	_ =	shalt  }
0x77: {  	_ =	shalt  }
0x78: {  	_ =	shalt  }
0x79: {  	_ =	shalt  }
0x7a: {  	_ =	shalt  }
0x7b: {  	_ =	shalt  }
0x7c: {  	_ =	shalt  }
0x7d: {  	_ =	shalt  }
0x7e: {  	_ =	shalt  }
0x7f: {  	_ =	shalt  }
0x80: {  	_ =	shalt  }
0x81: {  	_ =	shalt  }
0x82: {  	_ =	shalt  }
0x83: {  	_ =	shalt  }
0x84: {  	_ =	shalt  }
0x85: {  	_ =	shalt  }
0x86: {  	_ =	shalt  }
0x87: {  	_ =	shalt  }
.Lfunc_end0:
.L_simem_size_0:
called_computation.2_lowered:
.L_overlay_start_0:
0x88: {  	s2 =	sld [smem:$0x3FD9]  }
0x89: {  	s3 =	sld [smem:$0x3FFE];
	_ =	sdelay $0x1  }
0x8a: {  	s1 =	srdreg.scid  }
0x8b: {  	s0 =	sand.u32 $0x1, s1  }
0x8c: {  	s16 =	sshll.u32 s0, $0xA;
	s2 =	sadd.s32 s3, s2  }
0x8d: {  	s2 =	sadd.s32 s2, s16  }
0x8e: {  	[smem:$0x3FB8] =	sst s2  }
0x8f: {  	_ = 	snop  }
0x90: {  	(tm) =	ssettm $0x1  }
0x91: {  	s17 =	sld [smem:$0x3FFB];
	_ =	sdelay $0x3  }
0x92: {  	_ =	strace s17  }
0x93: {  	s2 =	sld [smem:$0x3FFC];
	_ =	sdelay $0x3  }
0x94: {  	_ =	strace s2  }
0x95: {  	s2 =	sld [smem:$0x3FFD];
	_ =	sdelay $0x3  }
0x96: {  	_ =	strace s2  }
0x97: {  	_ =	strace $0x8FFFFFFF  }
0x98: {  	s18 =	sld [smem:$0x3FDB];
	_ =	sdelay $0x1  }
0x99: {  	s19 =	simm.s32 $_scs_section_size  }
0x9a: {  	s4 =	simm.s32 $_size__tile_overlayer_lowered;
	s5 =	simm.s32 $_tile_overlayer_lowered  }
0x9b: {  	s22 =	simm.s32 $0x1BFF;
	s21 =	sshll.u32 s5, $0x1;
	s2 =	sadd.s32 s19, s18  }
0x9c: {  	s6 =	simm.s32 $0x0;
	s20 =	sshll.u32 s4, $0x1;
	s4 =	sadd.s32 s21, s2  }
0x9d: {  	[timem:s6], [sflag:s22] =	dma.local [hbm:s4], s20  }
0x9e: {  	_ =	swait.ge [sflag:s22], s20  }
0x9f: {  	s3 =	ssub.s32 $0x0, s20;
	[sflag:s22] =	ssyncset.done $0x0  }
0xa0: {  	[sflag:s22] =	ssyncadd.s32 s3;
	_ =	sdelay $0x1  }
0xa1: {  	s23 =	simm.s32 $0x1B8B  }
0xa2: {  	_ =	swait.ge [sflag:s23], $0x1  }
0xa3: {  	[sflag:s23] =	ssyncset.done $0x0  }
0xa4: {  	s25 =	simm.s32 $0x1B8E;
	s24 =	sld [smem:$0x3FFE];
	[sflag:s23] =	ssyncadd.s32 $0xFFFFFFFF  }
0xa5: {  	s26 =	simm.s32 $execute0_lowered;
	[smem:$0x3FD2] =	sst s25  }
0xa6: {  	s4 =	sshll.u32 s26, $0x1;
	_ =	strace $0x8000004C;
	[dreg:$0x1] =	wrdreg $0xFFFFFFFF  }
0xa7: {  	s28 =	simm.s32 $_size_execute0_lowered;
	s2 =	sadd.s32 s2, s4;
	[dreg:$0x0] =	wrdreg $0x0  }
0xa8: {  	s4 =	sshll.u32 s28, $0x1;
	[dreg:$0x2] =	wrdreg s2  }
0xa9: {  	[dreg:$0x3] =	wrdreg s4  }
0xaa: {  	[dreg:$0x4] =	wrdreg $0xC0  }
0xab: {  	_ =	task [dreg:s6], $0x5FFFF  }
0xac: {  	[dreg:$0x1] =	wrdreg $0xFFFFFFFF  }
0xad: {  	[dreg:$0x0] =	wrdreg $0x60  }
0xae: {  	[dreg:$0x2] =	wrdreg s24  }
0xaf: {  	[dreg:$0x3] =	wrdreg $0x62C00  }
0xb0: {  	[dreg:$0x4] =	wrdreg $0x9  }
0xb1: {  	_ =	task.clear_ibuf [dreg:s6], $0x5FFFF;
	_ =	strace $0x9000004C  }
0xb2: {  	s29 =	simm.s32 $0x9;
	_ =	strace $0x8000004E  }
0xb3: {  	_ =	swait.ge [sflag:s29], $0x1  }
0xb4: {  	[sflag:s29] =	ssyncadd.s32 $0xFFFFFFFF  }
0xb5: {  	_ =	strace $0x9000004E  }
0xb6: {  	_ =	sfence  }
0xb7: {  	s30 =	sld [smem:$0x0];
	_ =	sdelay $0x2  }
0xb8: {  	s31 =	sshll.u32 s1, $0xD;
	s1 =	sshrl.u32 s1, $0x2  }
0xb9: {  	s3 =	sand.u32 $0x4000, s31;
	s1 =	sadd.s32 s1, s30  }
0xba: {  	s0 =	sor.u32 s3, s0;
	s1 =	sshll.u32 s1, $0x11  }
0xbb: {  	s0 =	sor.u32 s1, s0  }
0xbc: {  	s0 =	sadd.s32 $0x8F2B, s0  }
0xbd: {  	[sflag:s0] =	ssyncadd.remote.s32 $0x1  }
0xbe: {  	_ =	sfence.sel $0xFFFF  }
0xbf: {  	[dreg:$0x0] =	wrdreg $0xFFFFFFFF;
	(pc) =	sbr.abs _section_cstart, $3  }
0xc0: {  	[dreg:$0x1] =	wrdreg $0xFFFFFFFF  }
0xc1: {  	_ =	task.clear_ibuf [dreg:s6], $0x2FFFF;
	_ =	strace $0x9FFFFFFF  }
0xc2: {  	(tm) =	ssettm $0x7FFFFFFF  }
0xc3: {  	_ =	shalt  }
tec
execute0_lowered:
.L_overlay_start_1:
0x0: {  	(tag) =	ssettag $0x1  }
0x1: {  	s1 =	srdreg.scid;
	s6 =	rddreg [dreg:$0x0]  }
0x2: {  	s0 =	stileid.u32;
	s2 =	rddreg [dreg:$0x1]  }
0x3: {  	s3 =	simm.s32 $0x0;
	s14 =	simm.s32 $0x50;
	s15 =	simm.s32 $0x4EC0  }
0x4: {  	s16 =	simm.s32 $0x58C0;
	s17 =	simm.s32 $0x1;
	s18 =	simm.s32 $0x2  }
0x5: {  	s19 =	simm.s32 $0x4E20;
	s20 =	simm.s32 $0x4E70;
	s21 =	simm.s32 $0x0  }
0x6: {  	s5 =	sand.u32 $0x1, s1;
	s30 =	sshll.u32 s0, $0x1;
	s7 =	smul.u32 $0x5000, s0  }
0x7: {  	[smem:$0x7FF] =	sst s3;
	s1 =	sor.u32 s5, s30;
	s8 =	smul.u32 $0x50000, s5  }
0x8: {  	s31 =	sshll.u32 s0, $0x6;
	s5 =	ssub.s32 $0x2, s5;
	s4 =	smul.u32 $0x4EC, s1  }
0x9: {  	s1 =	rddreg [dreg:$0x2];
	_ =	strace $0x8000004D;
	s10 =	sshrl.u32 s7, $0x3  }
0xa: {  	s11 =	sshrl.u32 s5, $0x1;
	s13 =	sadd.s32 s7, s2;
	s8 =	sadd.s32 s7, s8  }
0xb: {  	s10 =	sadd.s32 s10, s6;
	s11 =	ssub.s32 s5, s11;
	s9 =	sadd.s32 s4, s6  }
0xc: {  	s4 =	sadd.s32 $0xCA00, s6;
	s8 =	sshrl.u32 s8, $0x3;
	s5 =	sadd.s32 $0x73C00, s10  }
0xd: {  	s10 =	smax.u32 s11, $0x1;
	s11 =	sshrl.u32 s13, $0x3;
	s13 =	simm.s32 $0x2760  }
0xe: {  	s12 =	sadd.s32 s8, s6;
	s6 =	sor.u32 $0x1C03, s31;
	s7 =	sadd.s32 $0x1BA00, s9  }
0xf: {  	s8 =	sadd.s32 $0x2C00, s9;
	s9 =	sadd.s32 $0x25800, s12;
	s12 =	simm.s32 $0x3  }
.LBB2_1:
0x10: {  	[spmem:s11], [sflag:s6] =	dma.local [hbm:s5], $0xA00  }
0x11: {  	_ =	swait.ge [sflag:s12], $0xA00  }
0x12: {  	[sflag:s12] =	ssyncset.done $0x0  }
0x13: {  	[sflag:s12] =	ssyncadd.s32 $0xFFFFF600  }
0x14: {  	[tilespmem:s3], [sflag:$0x3] =	stream.linear.gather [hbm4b:s7+s3], $0x2760, $0x38;
	[tilespmem:$0xB2C0] =	vst v63  }
0x15: {  	_ =	swait.ge [sflag:s12], $0x2760  }
0x16: {  	[sflag:s12] =	ssyncset.done $0x0  }
0x17: {  	[sflag:s12] =	ssyncadd.s32 $0xFFFFD8A0  }
0x18: {  	[tilespmem:s13], [sflag:$0x3] =	stream.linear.gather [hbm4b:s8+s3], $0x2760, $0x38;
	[tilespmem:$0xB2C0] =	vst v63  }
0x19: {  	_ =	swait.ge [sflag:s12], $0x2760  }
0x1a: {  	[sflag:s12] =	ssyncset.done $0x0  }
0x1b: {  	[sflag:s12] =	ssyncadd.s32 $0xFFFFD8A0  }
0x1c: {  	[bflag:$0x0] =	sbarrier.arrive $0xFFFF  }
0x1d: {  	[tilespmem:s15], [sflag:$0x1] =	stream.indirect.gather [hbm4b:s4+s14], $0x20, s3, s14, $0xb8;
	[tilespmem:$0xB2C0] =	vst v63  }
0x1e: {  	_ = 	snop  }
0x1f: {  	[tilespmem:s16], [sflag:$0x2] =	stream.indirect.gather [hbm4b:s4+s14], $0x20, s14, s14, $0xb8;
	[tilespmem:$0xB2C0] =	vst v63  }
0x20: {  	_ =	swait.ge [sflag:s17], $0xA00  }
0x21: {  	[sflag:s17] =	ssyncset.done $0x0  }
0x22: {  	s22 =	simm.s32 $0x2760;
	[sflag:s17] =	ssyncadd.s32 $0xFFFFF600  }
0x23: {  	[spmem:s2] =	stream.indirect.scatter.add.f32 [tilespmem:s15], [sflag:$0x3], $0x20, s22, s14, $0xb8;
	[tilespmem:$0xB2C0] =	vst v63  }
0x24: {  	_ =	swait.ge [sflag:s12], $0xA00  }
0x25: {  	[sflag:s12] =	ssyncset.done $0x0  }
0x26: {  	s30 =	simm.s32 $0xA0;
	[sflag:s12] =	ssyncadd.s32 $0xFFFFF600  }
0x27: {  	[tilespmem:s15], [sflag:$0x1] =	stream.indirect.gather [hbm4b:s4+s14], $0x20, s30, s14, $0xb8;
	[tilespmem:$0xB2C0] =	vst v63  }
0x28: {  	_ =	swait.ge [sflag:s18], $0xA00  }
0x29: {  	[sflag:s18] =	ssyncset.done $0x0  }
0x2a: {  	s31 =	simm.s32 $0x27B0;
	[sflag:s18] =	ssyncadd.s32 $0xFFFFF600  }
0x2b: {  	[spmem:s2] =	stream.indirect.scatter.add.f32 [tilespmem:s16], [sflag:$0x3], $0x20, s31, s14, $0xb8;
	[tilespmem:$0xB2C0] =	vst v63  }
0x2c: {  	_ =	swait.ge [sflag:s12], $0xA00  }
0x2d: {  	[sflag:s12] =	ssyncset.done $0x0  }
0x2e: {  	s23 =	simm.s32 $0xF0;
	s22 =	simm.s32 $0x280;
	[sflag:s12] =	ssyncadd.s32 $0xFFFFF600  }
.LBB2_2:
0x2f: {  	[tilespmem:s16], [sflag:$0x2] =	stream.indirect.gather [hbm4b:s4+s14], $0x20, s23, s14, $0xb8;
	[tilespmem:$0xB2C0] =	vst v63  }
0x30: {  	s23 =	smov.u32 s22  }
0x31: {  	p0 =	sne.s32 s22, $0x9880;
	s22 =	sadd.s32 $0x280, s22;
	_ =	swait.ge [sflag:s17], $0xA00  }
0x32: {  	s23 =	sshra.s32 s23, $0x2;
	[sflag:s17] =	ssyncset.done $0x0  }
0x33: {  	s24 =	sadd.s32 $0x2760, s23;
	[sflag:s17] =	ssyncadd.s32 $0xFFFFF600  }
0x34: {  	[spmem:s2] =	stream.indirect.scatter.add.f32 [tilespmem:s15], [sflag:$0x3], $0x20, s24, s14, $0xb8;
	[tilespmem:$0xB2C0] =	vst v63  }
0x35: {  	_ =	swait.ge [sflag:s12], $0xA00  }
0x36: {  	[sflag:s12] =	ssyncset.done $0x0  }
0x37: {  	s24 =	sadd.s32 $0xA0, s23;
	[sflag:s12] =	ssyncadd.s32 $0xFFFFF600  }
0x38: {  	[tilespmem:s15], [sflag:$0x1] =	stream.indirect.gather [hbm4b:s4+s14], $0x20, s24, s14, $0xb8;
	[tilespmem:$0xB2C0] =	vst v63  }
0x39: {  	_ =	swait.ge [sflag:s18], $0xA00  }
0x3a: {  	[sflag:s18] =	ssyncset.done $0x0  }
.Ltmp0:
0x3b: {  	s24 =	sadd.s32 $0x27B0, s23;
	[sflag:s18] =	ssyncadd.s32 $0xFFFFF600;
	(pc) =	sbr.rel @p0 .LBB2_2-.Ltmp0, $4  }
0x3c: {  	[spmem:s2] =	stream.indirect.scatter.add.f32 [tilespmem:s16], [sflag:$0x3], $0x20, s24, s14, $0xb8;
	[tilespmem:$0xB2C0] =	vst v63  }
0x3d: {  	_ =	swait.ge [sflag:s12], $0xA00  }
0x3e: {  	[sflag:s12] =	ssyncset.done $0x0  }
0x3f: {  	s23 =	sadd.s32 $0xF0, s23;
	[sflag:s12] =	ssyncadd.s32 $0xFFFFF600  }
0x40: {  	[tilespmem:s16], [sflag:$0x2] =	stream.indirect.gather [hbm4b:s4+s14], $0x20, s23, s14, $0xb8;
	[tilespmem:$0xB2C0] =	vst v63  }
0x41: {  	_ =	swait.ge [sflag:s17], $0xA00  }
0x42: {  	[sflag:s17] =	ssyncset.done $0x0  }
0x43: {  	[sflag:s17] =	ssyncadd.s32 $0xFFFFF600  }
0x44: {  	[spmem:s2] =	stream.indirect.scatter.add.f32 [tilespmem:s15], [sflag:$0x3], $0x20, s19, s14, $0xb8;
	[tilespmem:$0xB2C0] =	vst v63  }
0x45: {  	_ =	swait.ge [sflag:s12], $0xA00  }
0x46: {  	[sflag:s12] =	ssyncset.done $0x0  }
0x47: {  	[sflag:s12] =	ssyncadd.s32 $0xFFFFF600  }
0x48: {  	_ =	swait.ge [sflag:s18], $0xA00  }
0x49: {  	[sflag:s18] =	ssyncset.done $0x0  }
0x4a: {  	[sflag:s18] =	ssyncadd.s32 $0xFFFFF600  }
0x4b: {  	[spmem:s2] =	stream.indirect.scatter.add.f32 [tilespmem:s16], [sflag:$0x3], $0x20, s20, s14, $0xb8;
	[tilespmem:$0xB2C0] =	vst v63  }
0x4c: {  	_ =	swait.ge [sflag:s12], $0xA00  }
0x4d: {  	s21 =	sadd.s32 $0x1, s21;
	[sflag:s12] =	ssyncset.done $0x0  }
0x4e: {  	p0 =	sne.s32 s21, s10;
	[sflag:s12] =	ssyncadd.s32 $0xFFFFF600  }
.Ltmp1:
0x4f: {  	[bflag:$0x0] =	sbarrier.arrive $0xFFFF;
	(pc) =	sbr.rel @p0 .LBB2_1-.Ltmp1, $4  }
0x50: {  	[hbm:s9], [sflag:s6] =	dma.local [spmem:s11], $0xA00  }
0x51: {  	_ =	swait.ge [sflag:s12], $0xA00  }
0x52: {  	[sflag:s12] =	ssyncset.done $0x0  }
0x53: {  	[sflag:s12] =	ssyncadd.s32 $0xFFFFF600  }
0x54: {  	_ =	sfence.sel $0x180000  }
0x55: {  	[bflag:$0x0] =	sbarrier.arrive $0xFFFF  }
0x56: {  	p0 =	sne.s32 s0, $0x0;
	_ =	strace $0x9000004D  }
0x57: {  	s0 =	sadd.s32 @!p0 $0x100000, s1;
	[bflag:$0x2] =	sbarrier.arrive $0xFFFF  }
0x58: {  	[sflag:s0] =	ssyncadd.tile.s32 @!p0 $0x1;
	_ =	shalt  }
.Lfunc_end2:
_tile_overlayer_lowered:
.L_overlay_start_2:
0x59: {  	(tag) =	ssettag $0x2  }
0x5a: {  	s0 =	rddreg [dreg:$0x0];
	s2 =	stileid.u32  }
0x5b: {  	s1 =	rddreg [dreg:$0x1];
	p0 =	sne.s32 s2, $0x0  }
0x5c: {  	s3 =	rddreg [dreg:$0x2];
	[bflag:$0x3] =	sbarrier.arrive $0xFFFF;
	s2 =	simm.s32 @!p0 $0x1C03  }
0x5d: {  	[timem:s3], [sflag:s2] =	dma.local @!p0 [hbm:s0], s1  }
0x5e: {  	s0 =	simm.s32 @!p0 $0x3  }
0x5f: {  	_ =	swait.ge @!p0 [sflag:s0], s1  }
0x60: {  	s1 =	ssub.s32 @!p0 $0x0, s1;
	[sflag:s0] =	ssyncset.done @!p0 $0x0  }
0x61: {  	[sflag:s0] =	ssyncadd.s32 @!p0 s1  }
0x62: {  	[bflag:$0x3] =	sbarrier.arrive $0xFFFF  }
0x63: {  	_ =	shalt  }

// kernel: kernel.9.cloned.1.call-start
scs
__scs_entry_jumppad:
0x0: {  	(pc) =	sbr.rel $0x88, $3  }
0x1: {  	(tag) =	ssettag $0x0;
	lr =	simm.s32 $0x1  }
0x2: {  	[smem:$0x3F91] =	sst lr;
	_ =	strace $0xD0000000  }
0x3: {  	_ = 	snop  }
0x4: {  	_ = 	snop  }
0x5: {  	_ = 	snop  }
0x6: {  	_ = 	snop  }
0x7: {  	_ = 	snop  }
__scs_overlays_trampoline_lowered:
0x8: {  	[smem:$0x3FA0] =	sst s0  }
0x9: {  	[smem:$0x3FA1] =	sst s1  }
0xa: {  	[smem:$0x3FA2] =	sst s2  }
0xb: {  	[smem:$0x3FA3] =	sst s3  }
0xc: {  	[smem:$0x3FA4] =	sst s4  }
0xd: {  	[smem:$0x3FA5] =	sst s5  }
0xe: {  	[smem:$0x3FA6] =	sst s6  }
0xf: {  	[smem:$0x3FA7] =	sst s7  }
0x10: {  	[smem:$0x3FA8] =	sst s8  }
0x11: {  	[smem:$0x3FA9] =	sst s9;
	s0 =	simm.s32 @!p0 $0x0  }
0x12: {  	s1 =	sld [smem:$0x3F8F];
	s0 =	simm.s32 @p0 $0x1  }
0x13: {  	[smem:$0x3FAA] =	sst s0;
	s0 =	simm.s32 @!p1 $0x0  }
0x14: {  	s2 =	sld [smem:$0x3F8E];
	s0 =	simm.s32 @p1 $0x1  }
0x15: {  	[smem:$0x3FAB] =	sst s0;
	s0 =	simm.s32 @!p2 $0x0  }
0x16: {  	s3 =	sld [smem:$0x3FDB];
	s0 =	simm.s32 @p2 $0x1  }
0x17: {  	s4 =	simm.s32 $0x1BF5;
	[smem:$0x3FAD] =	sst s0  }
0x18: {  	s0 =	sld [smem:$0x3F90];
	_ =	swait.ge [sflag:s4], $0x0  }
0x19: {  	s7 =	sld [smem:$0x3F91]  }
0x1a: {  	s8 =	sadd.s32 $0xFFFFE003, lr  }
0x1b: {  	s9 =	sadd.s32 $0xFFFFFEF7, lr;
	s5 =	simm.s32 $0xFFFFFFFF;
	p2 =	slt.u32 s8, $0xFFFFF086  }
0x1c: {  	p1 =	slt.u32 s9, $0xF7A;
	s5 =	simm.s32 @!p2 $0x0  }
0x1d: {  	s5 =	simm.s32 @p1 $0x1;
	p0 =	seq.s32 s7, s2  }
0x1e: {  	s7 =	smul.u32 @!p0 $0xF7A, s2;
	p2 =	seq.s32 @!p0 s5, $0x0  }
0x1f: {  	s9 =	smul.u32 $0xF7A, s1;
	s8 =	simm.s32 @!p0 $0x1BF5;
	p2 =	por !p2, p0  }
0x20: {  	[sflag:s8] =	ssyncset.s32 @!p0 $0xFFFFF086;
	s6 =	sadd.s32 @!p0 s3, s7;
	s7 =	simm.s32 @!p0 $0x108  }
0x21: {  	s3 =	sadd.s32 s3, s9;
	s6 =	sadd.s32 @!p0 $0x88, s6;
	s7 =	simm.s32 @p2 $0x1082  }
0x22: {  	[simem:s7], [sflag:s8] =	dma.local @!p0 [hbm:s6], $0xF7A  }
0x23: {  	s9 =	sor.u32 $0xD0000000, s2;
	s6 =	simm.s32 $0x108;
	_ =	swait.ge @!p0 [sflag:s8], $0x0  }
0x24: {  	s3 =	sadd.s32 $0x88, s3;
	s6 =	simm.s32 @!p1 $0x1082;
	[sflag:s4] =	ssyncset.s32 $0xFFFFF086  }
0x25: {  	[simem:s6], [sflag:s4] =	dma.local [hbm:s3], $0xF7A  }
0x26: {  	[smem:$0x3F91] =	sst s1;
	(tag) =	ssettag s2;
	_ =	strace s9  }
0x27: {  	s1 =	sld [smem:$0x3FA1]  }
0x28: {  	s2 =	sld [smem:$0x3FA2]  }
0x29: {  	s4 =	sld [smem:$0x3FA4]  }
0x2a: {  	p0 =	seq.s32 s5, $0x0;
	s5 =	sld [smem:$0x3FA5]  }
0x2b: {  	s6 =	sld [smem:$0x3FA6]  }
0x2c: {  	s7 =	sld [smem:$0x3FA7]  }
0x2d: {  	s3 =	simm.s32 $0x108;
	s8 =	sld [smem:$0x3FA8]  }
0x2e: {  	s3 =	simm.s32 @!p0 $0x1082;
	s9 =	sld [smem:$0x3FA9]  }
0x2f: {  	lr =	sadd.s32 s0, s3;
	s0 =	sld [smem:$0x3FA0]  }
0x30: {  	s3 =	sld [smem:$0x3FA3]  }
0x31: {  	[smem:$0x3FAC] =	sst s10  }
0x32: {  	s10 =	sld [smem:$0x3FAA];
	_ =	sdelay $0x3  }
0x33: {  	p0 =	seq.s32 s10, $0x1;
	s10 =	sld [smem:$0x3FAC];
	_ =	sdelay $0x3  }
0x34: {  	[smem:$0x3FAC] =	sst s10  }
0x35: {  	s10 =	sld [smem:$0x3FAB];
	_ =	sdelay $0x3  }
0x36: {  	p1 =	seq.s32 s10, $0x1;
	s10 =	sld [smem:$0x3FAC];
	_ =	sdelay $0x3  }
0x37: {  	[smem:$0x3FAC] =	sst s10  }
0x38: {  	s10 =	sld [smem:$0x3FAD]  }
0x39: {  	_ = 	snop;
	(pc) =	sbr.ind lr, $3  }
0x3a: {  	_ = 	snop  }
0x3b: {  	_ = 	snop  }
0x3c: {  	p2 =	seq.s32 s10, $0x1;
	s10 =	sld [smem:$0x3FAC]  }
0x3d: {  	_ =	shalt  }
0x3e: {  	_ =	shalt  }
0x3f: {  	_ =	shalt  }
0x40: {  	_ =	shalt  }
0x41: {  	_ =	shalt  }
0x42: {  	_ =	shalt  }
0x43: {  	_ =	shalt  }
0x44: {  	_ =	shalt  }
0x45: {  	_ =	shalt  }
0x46: {  	_ =	shalt  }
0x47: {  	_ =	shalt  }
0x48: {  	_ =	shalt  }
0x49: {  	_ =	shalt  }
0x4a: {  	_ =	shalt  }
0x4b: {  	_ =	shalt  }
0x4c: {  	_ =	shalt  }
0x4d: {  	_ =	shalt  }
0x4e: {  	_ =	shalt  }
0x4f: {  	_ =	shalt  }
0x50: {  	_ =	shalt  }
0x51: {  	_ =	shalt  }
0x52: {  	_ =	shalt  }
0x53: {  	_ =	shalt  }
0x54: {  	_ =	shalt  }
0x55: {  	_ =	shalt  }
0x56: {  	_ =	shalt  }
0x57: {  	_ =	shalt  }
0x58: {  	_ =	shalt  }
0x59: {  	_ =	shalt  }
0x5a: {  	_ =	shalt  }
0x5b: {  	_ =	shalt  }
0x5c: {  	_ =	shalt  }
0x5d: {  	_ =	shalt  }
0x5e: {  	_ =	shalt  }
0x5f: {  	_ =	shalt  }
0x60: {  	_ =	shalt  }
0x61: {  	_ =	shalt  }
0x62: {  	_ =	shalt  }
0x63: {  	_ =	shalt  }
0x64: {  	_ =	shalt  }
0x65: {  	_ =	shalt  }
0x66: {  	_ =	shalt  }
0x67: {  	_ =	shalt  }
0x68: {  	_ =	shalt  }
0x69: {  	_ =	shalt  }
0x6a: {  	_ =	shalt  }
0x6b: {  	_ =	shalt  }
0x6c: {  	_ =	shalt  }
0x6d: {  	_ =	shalt  }
0x6e: {  	_ =	shalt  }
0x6f: {  	_ =	shalt  }
0x70: {  	_ =	shalt  }
0x71: {  	_ =	shalt  }
0x72: {  	_ =	shalt  }
0x73: {  	_ =	shalt  }
0x74: {  	_ =	shalt  }
0x75: {  	_ =	shalt  }
0x76: {  	_ =	shalt  }
0x77: {  	_ =	shalt  }
0x78: {  	_ =	shalt  }
0x79: {  	_ =	shalt  }
0x7a: {  	_ =	shalt  }
0x7b: {  	_ =	shalt  }
0x7c: {  	_ =	shalt  }
0x7d: {  	_ =	shalt  }
0x7e: {  	_ =	shalt  }
0x7f: {  	_ =	shalt  }
0x80: {  	_ =	shalt  }
0x81: {  	_ =	shalt  }
0x82: {  	_ =	shalt  }
0x83: {  	_ =	shalt  }
0x84: {  	_ =	shalt  }
0x85: {  	_ =	shalt  }
0x86: {  	_ =	shalt  }
0x87: {  	_ =	shalt  }
.Lfunc_end0:
.L_simem_size_0:
called_computation_lowered:
.L_overlay_start_0:
0x88: {  	s2 =	sld [smem:$0x3FD9]  }
0x89: {  	s3 =	sld [smem:$0x3FFE];
	_ =	sdelay $0x1  }
0x8a: {  	s1 =	srdreg.scid  }
0x8b: {  	s0 =	sand.u32 $0x1, s1  }
0x8c: {  	s17 =	sshll.u32 s0, $0xA;
	s2 =	sadd.s32 s3, s2  }
0x8d: {  	s2 =	sadd.s32 s2, s17  }
0x8e: {  	[smem:$0x3FB8] =	sst s2  }
0x8f: {  	_ = 	snop  }
0x90: {  	s2 =	sld [smem:$0x3FD0];
	(tm) =	ssettm $0x1  }
0x91: {  	s18 =	sld [smem:$0x3FFB];
	_ =	sdelay $0x3  }
0x92: {  	_ =	strace s18  }
0x93: {  	s3 =	sld [smem:$0x3FFC];
	_ =	sdelay $0x3  }
0x94: {  	_ =	strace s3  }
0x95: {  	s3 =	sld [smem:$0x3FFD];
	_ =	sdelay $0x3  }
0x96: {  	_ =	strace s3  }
0x97: {  	_ =	strace $0x8FFFFFFF  }
0x98: {  	s19 =	sld [smem:$0x3FDB];
	_ =	sdelay $0x1  }
0x99: {  	s4 =	simm.s32 $_scs_section_size  }
0x9a: {  	s5 =	simm.s32 $_size__tile_overlayer_lowered;
	s6 =	simm.s32 $_tile_overlayer_lowered  }
0x9b: {  	s22 =	simm.s32 $0x1BFF;
	s21 =	sshll.u32 s6, $0x1;
	s3 =	sadd.s32 s4, s19  }
0x9c: {  	s7 =	simm.s32 $0x0;
	s20 =	sshll.u32 s5, $0x1;
	s5 =	sadd.s32 s21, s3  }
0x9d: {  	[timem:s7], [sflag:s22] =	dma.local [hbm:s5], s20  }
0x9e: {  	_ =	swait.ge [sflag:s22], s20  }
0x9f: {  	s4 =	ssub.s32 $0x0, s20;
	[sflag:s22] =	ssyncset.done $0x0  }
0xa0: {  	[sflag:s22] =	ssyncadd.s32 s4;
	_ =	sdelay $0x1  }
0xa1: {  	s23 =	simm.s32 $0x1B8B  }
0xa2: {  	_ =	swait.ge [sflag:s23], $0x1  }
0xa3: {  	[sflag:s23] =	ssyncset.done $0x0  }
0xa4: {  	s25 =	simm.s32 $0x1B8E;
	s24 =	sld [smem:$0x3FFE];
	[sflag:s23] =	ssyncadd.s32 $0xFFFFFFFF  }
0xa5: {  	s26 =	simm.s32 $execute0_lowered;
	[smem:$0x3FD2] =	sst s25  }
0xa6: {  	s5 =	sshll.u32 s26, $0x1;
	_ =	strace $0x80000046;
	[dreg:$0x1] =	wrdreg $0xFFFFFFFF  }
0xa7: {  	s28 =	simm.s32 $_size_execute0_lowered;
	s3 =	sadd.s32 s3, s5;
	[dreg:$0x0] =	wrdreg $0x0  }
0xa8: {  	s5 =	sshll.u32 s28, $0x1;
	[dreg:$0x2] =	wrdreg s3  }
0xa9: {  	[dreg:$0x3] =	wrdreg s5  }
0xaa: {  	[dreg:$0x4] =	wrdreg $0xC0  }
0xab: {  	_ =	task [dreg:s7], $0x5FFFF  }
0xac: {  	[dreg:$0x1] =	wrdreg $0xFFFFFFFF  }
0xad: {  	[dreg:$0x0] =	wrdreg $0x60  }
0xae: {  	[dreg:$0x2] =	wrdreg s24  }
0xaf: {  	[dreg:$0x3] =	wrdreg s2  }
0xb0: {  	[dreg:$0x4] =	wrdreg $0x2C600  }
0xb1: {  	[dreg:$0x5] =	wrdreg $0x9  }
0xb2: {  	_ =	task.clear_ibuf [dreg:s7], $0x6FFFF;
	_ =	strace $0x90000046  }
0xb3: {  	s29 =	simm.s32 $0x9;
	_ =	strace $0x80000048  }
0xb4: {  	_ =	swait.ge [sflag:s29], $0x1  }
0xb5: {  	[sflag:s29] =	ssyncadd.s32 $0xFFFFFFFF  }
0xb6: {  	_ =	strace $0x90000048  }
0xb7: {  	_ =	sfence  }
0xb8: {  	s30 =	sld [smem:$0x0];
	_ =	sdelay $0x2  }
0xb9: {  	s31 =	sshll.u32 s1, $0xD;
	s1 =	sshrl.u32 s1, $0x2  }
0xba: {  	s3 =	sand.u32 $0x4000, s31;
	s1 =	sadd.s32 s1, s30  }
0xbb: {  	s0 =	sor.u32 s3, s0;
	s1 =	sshll.u32 s1, $0x11  }
0xbc: {  	s0 =	sor.u32 s1, s0  }
0xbd: {  	s0 =	sadd.s32 $0x8F2B, s0  }
0xbe: {  	[sflag:s0] =	ssyncadd.remote.s32 $0x1  }
0xbf: {  	_ =	sfence.sel $0xFFFF  }
0xc0: {  	[dreg:$0x0] =	wrdreg $0xFFFFFFFF;
	(pc) =	sbr.abs _section_cstart, $3  }
0xc1: {  	[dreg:$0x1] =	wrdreg $0xFFFFFFFF  }
0xc2: {  	_ =	task.clear_ibuf [dreg:s7], $0x2FFFF;
	_ =	strace $0x9FFFFFFF  }
0xc3: {  	(tm) =	ssettm $0x7FFFFFFF  }
tec
execute0_lowered:
.L_overlay_start_1:
0x0: {  	(tag) =	ssettag $0x1  }
0x1: {  	s5 =	rddreg [dreg:$0x0]  }
0x2: {  	s1 =	srdreg.scid;
	s2 =	rddreg [dreg:$0x1]  }
0x3: {  	s0 =	stileid.u32;
	s3 =	rddreg [dreg:$0x2];
	s4 =	simm.s32 $0x0  }
0x4: {  	s13 =	simm.s32 $0x50;
	s14 =	simm.s32 $0x0;
	s6 =	sand.u32 $0x1, s1  }
0x5: {  	s30 =	sshll.u32 s0, $0x1;
	s8 =	smul.u32 $0x2800, s0;
	[smem:$0x7FF] =	sst s4  }
0x6: {  	s31 =	sshll.u32 s0, $0x6;
	s1 =	sor.u32 s6, s30;
	s9 =	smul.u32 $0x28000, s6  }
0x7: {  	s6 =	ssub.s32 $0x2, s6;
	s7 =	smul.u32 $0x4EC, s1;
	s1 =	rddreg [dreg:$0x3]  }
0x8: {  	_ =	strace $0x80000047;
	s10 =	sshrl.u32 s8, $0x3;
	s11 =	sshrl.u32 s6, $0x1  }
0x9: {  	s12 =	sadd.s32 s8, s3;
	s9 =	sadd.s32 s8, s9;
	s10 =	sadd.s32 s10, s5  }
0xa: {  	s11 =	ssub.s32 s6, s11;
	s6 =	sor.u32 $0x1C01, s31;
	s9 =	sshrl.u32 s9, $0x3  }
0xb: {  	s7 =	sadd.s32 s7, s5;
	s9 =	sadd.s32 s9, s5;
	s5 =	sadd.s32 $0xCA00, s10  }
0xc: {  	s7 =	sadd.s32 $0x2C00, s7;
	s10 =	sshrl.u32 s12, $0x3;
	s12 =	simm.s32 $0x2760  }
0xd: {  	s8 =	sadd.s32 $0x11A00, s9;
	s9 =	smax.u32 s11, $0x1;
	s11 =	simm.s32 $0x1  }
.LBB2_1:
0xe: {  	[spmem:s10], [sflag:s6] =	dma.local [hbm:s5], $0x500  }
0xf: {  	_ =	swait.ge [sflag:s11], $0x500  }
0x10: {  	[sflag:s11] =	ssyncset.done $0x0  }
0x11: {  	[sflag:s11] =	ssyncadd.s32 $0xFFFFFB00  }
0x12: {  	[tilespmem:s12], [sflag:$0x1] =	stream.linear.gather [hbm4b:s2+s4], $0x500, $0x38;
	[tilespmem:$0x5460] =	vst v63  }
0x13: {  	_ =	swait.ge [sflag:s11], $0x500  }
0x14: {  	[sflag:s11] =	ssyncset.done $0x0  }
0x15: {  	[sflag:s11] =	ssyncadd.s32 $0xFFFFFB00  }
0x16: {  	[tilespmem:s4], [sflag:$0x1] =	stream.linear.gather [hbm4b:s7+s4], $0x2760, $0x38;
	[tilespmem:$0x5460] =	vst v63  }
0x17: {  	_ =	swait.ge [sflag:s11], $0x2760  }
0x18: {  	[sflag:s11] =	ssyncset.done $0x0  }
0x19: {  	[sflag:s11] =	ssyncadd.s32 $0xFFFFD8A0  }
0x1a: {  	s15 =	simm.s32 $0x0;
	[bflag:$0x0] =	sbarrier.arrive $0xFFFF  }
0x1b: {  	[spmem:s3] =	stream.indirect.scatter.add.f32 [tilespmem:s12], [sflag:$0x1], $0x10, s15, s13, $0xb8;
	[tilespmem:$0x5460] =	vst v63  }
0x1c: {  	_ =	swait.ge [sflag:s11], $0x500  }
0x1d: {  	s15 =	simm.s32 $0x140;
	[sflag:s11] =	ssyncset.done $0x0  }
.LBB2_2:
0x1e: {  	s16 =	sshra.s32 s15, $0x2;
	[sflag:s11] =	ssyncadd.s32 $0xFFFFFB00;
	p0 =	sne.s32 s15, $0x9C40  }
0x1f: {  	[spmem:s3] =	stream.indirect.scatter.add.f32 [tilespmem:s12], [sflag:$0x1], $0x10, s16, s13, $0xb8;
	[tilespmem:$0x5460] =	vst v63  }
.Ltmp0:
0x20: {  	_ = 	snop;
	(pc) =	sbr.rel @p0 .LBB2_2-.Ltmp0, $4  }
0x21: {  	_ = 	snop  }
0x22: {  	s15 =	sadd.s32 $0x140, s15  }
0x23: {  	_ =	swait.ge [sflag:s11], $0x500  }
0x24: {  	[sflag:s11] =	ssyncset.done $0x0  }
0x25: {  	s14 =	sadd.s32 $0x1, s14  }
0x26: {  	[sflag:s11] =	ssyncadd.s32 $0xFFFFFB00;
	p0 =	sne.s32 s14, s9  }
.Ltmp1:
0x27: {  	[bflag:$0x0] =	sbarrier.arrive $0xFFFF;
	(pc) =	sbr.rel @p0 .LBB2_1-.Ltmp1, $4  }
0x28: {  	[hbm:s8], [sflag:s6] =	dma.local [spmem:s10], $0x500  }
0x29: {  	_ =	swait.ge [sflag:s11], $0x500  }
0x2a: {  	[sflag:s11] =	ssyncset.done $0x0  }
0x2b: {  	[sflag:s11] =	ssyncadd.s32 $0xFFFFFB00  }
0x2c: {  	_ =	sfence.sel $0x180000  }
0x2d: {  	[bflag:$0x0] =	sbarrier.arrive $0xFFFF  }
0x2e: {  	p0 =	sne.s32 s0, $0x0;
	_ =	strace $0x90000047  }
0x2f: {  	s0 =	sadd.s32 @!p0 $0x100000, s1;
	[bflag:$0x2] =	sbarrier.arrive $0xFFFF  }
0x30: {  	[sflag:s0] =	ssyncadd.tile.s32 @!p0 $0x1;
	_ =	shalt  }
.Lfunc_end2:
_tile_overlayer_lowered:
.L_overlay_start_2:
0x31: {  	(tag) =	ssettag $0x2  }
0x32: {  	s0 =	rddreg [dreg:$0x0];
	s2 =	stileid.u32  }
0x33: {  	s1 =	rddreg [dreg:$0x1];
	p0 =	sne.s32 s2, $0x0  }
0x34: {  	s3 =	rddreg [dreg:$0x2];
	[bflag:$0x3] =	sbarrier.arrive $0xFFFF;
	s2 =	simm.s32 @!p0 $0x1C01  }
0x35: {  	[timem:s3], [sflag:s2] =	dma.local @!p0 [hbm:s0], s1  }
0x36: {  	s0 =	simm.s32 @!p0 $0x1  }
0x37: {  	_ =	swait.ge @!p0 [sflag:s0], s1  }
0x38: {  	s1 =	ssub.s32 @!p0 $0x0, s1;
	[sflag:s0] =	ssyncset.done @!p0 $0x0  }
0x39: {  	[sflag:s0] =	ssyncadd.s32 @!p0 s1  }
0x3a: {  	[bflag:$0x3] =	sbarrier.arrive $0xFFFF  }
0x3b: {  	_ =	shalt  }

</sc_bundles>
